<compile_context>
chip_gen: v7x
topology: tpu7x:2x2x1
jax: 0.10.2.dev20260603
libtpu: 0.0.44.dev20260713+nightly
codegen_flags: <defaults>
</compile_context>

<pallas_src>
import functools

import jax
import jax.numpy as jnp
from jax import lax
from jax.experimental import pallas as pl
from jax.experimental.pallas import tpu as pltpu
from jax.experimental.pallas import tpu_sc as plsc

BSZ = 8
SRC_LEN = 2048
TGT_LEN = 4
NUM_EMB = 4096
D = 768

NUM_WORKERS = 32
ROWS_PER_WORKER = SRC_LEN
CHUNK = 32
NCHUNKS = ROWS_PER_WORKER // CHUNK
NOPS = 2 * NCHUNKS
NSLOTS = 4
L = 16


def _sc_body(mask_hbm, tgt_hbm, wk_hbm, wv_hbm, outk_hbm, outv_hbm,
             mask_v, tgt_v, cs_v, idx_v, shift_v,
             buf0, buf1, buf2, buf3,
             gsem0, gsem1, gsem2, gsem3, wsem0, wsem1, wsem2, wsem3):
    bufs = (buf0, buf1, buf2, buf3)
    gsems = (gsem0, gsem1, gsem2, gsem3)
    wsems = (wsem0, wsem1, wsem2, wsem3)
    tables = (wk_hbm, wv_hbm)
    outs = (outk_hbm, outv_hbm)

    wid = lax.axis_index("s") * 2 + lax.axis_index("c")
    b = wid // TGT_LEN
    t = wid % TGT_LEN

    pltpu.sync_copy(mask_hbm.at[b], mask_v)
    pltpu.sync_copy(tgt_hbm, tgt_v)

    iota = lax.iota(jnp.int32, L)

    sh_idx = [jnp.maximum(iota - sh, 0) for sh in (1, 2, 4, 8)]
    sh_msk = [iota >= sh for sh in (1, 2, 4, 8)]

    def cs_step(j, carry_vec):
        v = mask_v[pl.ds(j * L, L)]
        for sidx, smsk in zip(sh_idx, sh_msk):
            shift_v[...] = v
            g = plsc.load_gather(shift_v, [sidx])
            v = v + jnp.where(smsk, g, 0)
        v = v + carry_vec
        cs_v[pl.ds(j * L, L)] = v
        return plsc.load_gather(
            cs_v, [jnp.full((L,), j * L + L - 1, jnp.int32)])

    lax.fori_loop(0, SRC_LEN // L, cs_step, jnp.zeros((L,), jnp.int32),
                  unroll=False)

    t_rep = plsc.load_gather(tgt_v, [jnp.full((L,), t, jnp.int32)])
    q16 = plsc.load_gather(cs_v, [t_rep])
    qoff = (NUM_EMB // 2) - q16

    def idx_step(r, _):
        for kk in range(CHUNK // L):
            csv = cs_v[pl.ds((r * (CHUNK // L) + kk) * L, L)]
            pos = jnp.clip(csv + qoff, 0, NUM_EMB - 1)
            idx_v[r, pl.ds(kk * L, L)] = pos
        return 0

    lax.fori_loop(0, NCHUNKS, idx_step, 0, unroll=False)

    def start_gather(i, slot, parity):
        c = (i + 2) // 2
        pltpu.async_copy(tables[parity].at[idx_v.at[c]], bufs[slot],
                         gsems[slot])

    def wait_gather(slot):
        pltpu.make_async_copy(wk_hbm.at[idx_v.at[0]], bufs[slot],
                              gsems[slot]).wait()

    def out_slab(parity, c):
        return outs[parity].at[b, pl.ds(c * CHUNK, CHUNK), t]

    def wait_write(slot, parity):
        pltpu.make_async_copy(bufs[slot], out_slab(parity, 0),
                              wsems[slot]).wait()

    pltpu.async_copy(wk_hbm.at[idx_v.at[0]], bufs[0], gsems[0])
    pltpu.async_copy(wv_hbm.at[idx_v.at[0]], bufs[1], gsems[1])

    def ring_step(gi, _):
        g = gi * NSLOTS
        for ii in range(NSLOTS):
            i = g + ii
            parity = ii % 2
            ns = (ii + 2) % NSLOTS

            @pl.when(i + 2 < NOPS)
            def _():
                @pl.when(i >= 2)
                def _():
                    wait_write(ns, parity)
                start_gather(i, ns, parity)

            wait_gather(ii)
            pltpu.async_copy(bufs[ii], out_slab(parity, i // 2), wsems[ii])
        return 0

    lax.fori_loop(0, NOPS // NSLOTS, ring_step, 0, unroll=False)
    for s in range(NSLOTS):
        wait_write(s, s % 2)


@functools.partial(jax.jit, static_argnums=())
def _run(mask, tgt16, w_k, w_v):
    mesh = plsc.VectorSubcoreMesh(core_axis_name="c", subcore_axis_name="s")
    f = pl.kernel(
        _sc_body,
        out_type=(
            jax.ShapeDtypeStruct((BSZ, SRC_LEN, TGT_LEN, D), jnp.float32),
            jax.ShapeDtypeStruct((BSZ, SRC_LEN, TGT_LEN, D), jnp.float32),
        ),
        mesh=mesh,
        compiler_params=pltpu.CompilerParams(needs_layout_passes=False),
        scratch_types=[
            pltpu.VMEM((SRC_LEN,), jnp.int32),
            pltpu.VMEM((L,), jnp.int32),
            pltpu.VMEM((SRC_LEN,), jnp.int32),
            pltpu.VMEM((NCHUNKS, CHUNK), jnp.int32),
            pltpu.VMEM((L,), jnp.int32),
        ] + [pltpu.VMEM((CHUNK, D), jnp.float32) for _ in range(NSLOTS)]
          + [pltpu.SemaphoreType.DMA for _ in range(2 * NSLOTS)],
    )
    return f(mask, tgt16, w_k, w_v)


def kernel(attention_mask, tgt_array_indices, W_k, W_v):
    mask = attention_mask.astype(jnp.int32)
    tgt16 = jnp.pad(tgt_array_indices.astype(jnp.int32).reshape(TGT_LEN),
                    (0, L - TGT_LEN))
    return _run(mask, tgt16, W_k, W_v)

# --- scband reference (transcript-rebuilt; emitter-appended) ---
"""Pipeline reference for scband-rel-pos-embs-65472481460445 (READ-ONLY COPY).

The authoritative reference and input builder live on the scoring server;
editing this copy changes nothing except your own understanding.
"""

import jax, jax.numpy as jnp
import numpy as np

BSZ = 8
SRC_LEN = 2048
TGT_LEN = 4
NUM_EMBEDDINGS = 4096
MODEL_D = 768


def setup_inputs(seed: int = 0) -> dict:
    key = jax.random.key(seed)
    k1, k2, k3, k4 = jax.random.split(key, 4)
    attention_mask = jax.random.randint(k1, (BSZ, SRC_LEN), 0, 2)
    tgt_array_indices = jax.random.randint(k2, (1, TGT_LEN), 0, SRC_LEN)
    W_k = jax.random.normal(k3, (NUM_EMBEDDINGS, MODEL_D), dtype=jnp.float32) * 0.02
    W_v = jax.random.normal(k4, (NUM_EMBEDDINGS, MODEL_D), dtype=jnp.float32) * 0.02
    return {
        "attention_mask": attention_mask,
        "tgt_array_indices": tgt_array_indices,
        "W_k": W_k,
        "W_v": W_v,
    }


def _build_rel_att_mat(attention_mask, num_embeddings, tgt_array_indices):
    bsz, src_len = attention_mask.shape
    attention_mask_cs = jnp.cumsum(attention_mask, axis=-1)
    key_idx = attention_mask_cs.reshape(bsz, src_len, 1)
    tgt_len = tgt_array_indices.shape[1]
    query_idx = attention_mask_cs[:, tgt_array_indices[0]].reshape(bsz, 1, tgt_len)
    positions = jnp.clip(key_idx - query_idx + num_embeddings // 2, 0, num_embeddings - 1)
    return positions


def reference(attention_mask, tgt_array_indices, W_k, W_v):
    num_embeddings = W_k.shape[0]
    positions = _build_rel_att_mat(attention_mask, num_embeddings, tgt_array_indices)
    k = jnp.take(W_k, positions, axis=0)
    v = jnp.take(W_v, positions, axis=0)
    return (k, v)

if __name__ == "__main__":
    import jax
    _d = setup_inputs()
    print(jax.jit(kernel)(*tuple(_d.values())))

</pallas_src>

<mosaic_0001>
#map = affine_map<(d0, d1) -> (0, 0)>
#map1 = affine_map<(d0, d1) -> (0)>
#map2 = affine_map<(d0, d1) -> (0, 0, 0, 0)>
module attributes {stable_mosaic.version = 14 : i64} {
  func.func @_sc_body(%arg0: i32, %arg1: i32, %arg2: memref<8x2048xi32, #tpu.memory_space<hbm>>, %arg3: memref<16xi32, #tpu.memory_space<hbm>>, %arg4: memref<4096x768xf32, #tpu.memory_space<hbm>>, %arg5: memref<4096x768xf32, #tpu.memory_space<hbm>>, %arg6: memref<8x2048x4x768xf32, #tpu.memory_space<hbm>>, %arg7: memref<8x2048x4x768xf32, #tpu.memory_space<hbm>>, %arg8: memref<2048xi32, #tpu.memory_space<vmem>>, %arg9: memref<16xi32, #tpu.memory_space<vmem>>, %arg10: memref<2048xi32, #tpu.memory_space<vmem>>, %arg11: memref<64x32xi32, #tpu.memory_space<vmem>>, %arg12: memref<16xi32, #tpu.memory_space<vmem>>, %arg13: memref<32x768xf32, #tpu.memory_space<vmem>>, %arg14: memref<32x768xf32, #tpu.memory_space<vmem>>, %arg15: memref<32x768xf32, #tpu.memory_space<vmem>>, %arg16: memref<32x768xf32, #tpu.memory_space<vmem>>, %arg17: memref<!tpu.dma_semaphore, #tpu.memory_space<semaphore_mem>>, %arg18: memref<!tpu.dma_semaphore, #tpu.memory_space<semaphore_mem>>, %arg19: memref<!tpu.dma_semaphore, #tpu.memory_space<semaphore_mem>>, %arg20: memref<!tpu.dma_semaphore, #tpu.memory_space<semaphore_mem>>, %arg21: memref<!tpu.dma_semaphore, #tpu.memory_space<semaphore_mem>>, %arg22: memref<!tpu.dma_semaphore, #tpu.memory_space<semaphore_mem>>, %arg23: memref<!tpu.dma_semaphore, #tpu.memory_space<semaphore_mem>>, %arg24: memref<!tpu.dma_semaphore, #tpu.memory_space<semaphore_mem>>) attributes {dimension_semantics = [#tpu.dimension_semantics<core_parallel>, #tpu.dimension_semantics<subcore_parallel>], iteration_bounds = array<i64: 2, 16>, scalar_prefetch = 0 : i64, scratch_operands = 17 : i64, tpu.core_type = #tpu.core_type<sc_vector_subcore>, window_params = [{transform_indices = #map}, {transform_indices = #map1}, {transform_indices = #map}, {transform_indices = #map}, {transform_indices = #map2}, {transform_indices = #map2}]} {
    %mul3A = arith.constant 2 : i32
    %mul3A_0 = arith.muli %arg1, %mul3A : i32
    %add3A = arith.addi %mul3A_0, %arg0 : i32
    %jit3A = arith.constant 4 : i32
    %div3A = arith.divsi %add3A, %jit3A : i32
    %sign3A = arith.constant 0 : i32
    %sign3A_1 = arith.cmpi sgt, %add3A, %sign3A : i32
    %sign3A_2 = arith.extui %sign3A_1 : i1 to i32
    %sign3A_3 = arith.constant 0 : i32
    %sign3A_4 = arith.cmpi slt, %add3A, %sign3A_3 : i32
    %sign3A_5 = arith.extui %sign3A_4 : i1 to i32
    %sign3A_6 = arith.subi %sign3A_2, %sign3A_5 : i32
    %sign3A_7 = arith.constant 0 : i32
    %sign3A_8 = arith.cmpi sgt, %jit3A, %sign3A_7 : i32
    %sign3A_9 = arith.extui %sign3A_8 : i1 to i32
    %sign3A_10 = arith.constant 0 : i32
    %sign3A_11 = arith.cmpi slt, %jit3A, %sign3A_10 : i32
    %sign3A_12 = arith.extui %sign3A_11 : i1 to i32
    %sign3A_13 = arith.subi %sign3A_9, %sign3A_12 : i32
    %ne3A = arith.cmpi ne, %sign3A_6, %sign3A_13 : i32
    %rem3A = arith.remsi %add3A, %jit3A : i32
    %ne3A_14 = arith.constant 0 : i32
    %ne3A_15 = arith.cmpi ne, %rem3A, %ne3A_14 : i32
    %and3A = arith.andi %ne3A, %ne3A_15 : i1
    %sub3A = arith.constant 1 : i32
    %sub3A_16 = arith.subi %div3A, %sub3A : i32
    %select_n3A = arith.select %and3A, %sub3A_16, %div3A : i32
    %jit3A_17 = arith.constant 4 : i32
    %eq3A = arith.constant 0 : i32
    %eq3A_18 = arith.cmpi eq, %jit3A_17, %eq3A : i32
    %jit3A_19 = arith.constant 1 : i32
    %select_n3A_20 = arith.select %eq3A_18, %jit3A_19, %jit3A_17 : i32
    %rem3A_21 = arith.remsi %add3A, %select_n3A_20 : i32
    %ne3A_22 = arith.constant 0 : i32
    %ne3A_23 = arith.cmpi ne, %rem3A_21, %ne3A_22 : i32
    %lt3A = arith.constant 0 : i32
    %lt3A_24 = arith.cmpi slt, %rem3A_21, %lt3A : i32
    %lt3A_25 = arith.constant 0 : i32
    %lt3A_26 = arith.cmpi slt, %select_n3A_20, %lt3A_25 : i32
    %ne3A_27 = arith.xori %lt3A_24, %lt3A_26 : i1
    %and3A_28 = arith.andi %ne3A_27, %ne3A_23 : i1
    %add3A_29 = arith.addi %rem3A_21, %select_n3A_20 : i32
    %select_n3A_30 = arith.select %and3A_28, %add3A_29, %rem3A_21 : i32
    "tpu.region"() ({
      %run_scoped3A = tpu.sem_alloc : memref<!tpu.dma_semaphore, #tpu.memory_space<semaphore_mem>>
      %dma_start3A_134 = arith.constant 0 : i32
      %dma_start3A_135 = tpu.memref_slice %arg2[%select_n3A, %dma_start3A_134] : memref<8x2048xi32, #tpu.memory_space<hbm>> -> memref<1x2048xi32, #tpu.memory_space<hbm>>
      %dma_start3A_136 = tpu.memref_squeeze %dma_start3A_135 : memref<1x2048xi32, #tpu.memory_space<hbm>> -> memref<2048xi32, #tpu.memory_space<hbm>>
      %dma_start3A_137 = arith.constant 0 : i32
      %dma_start3A_138 = tpu.memref_slice %arg2[%select_n3A, %dma_start3A_137] : memref<8x2048xi32, #tpu.memory_space<hbm>> -> memref<1x2048xi32, #tpu.memory_space<hbm>>
      %dma_start3A_139 = tpu.memref_squeeze %dma_start3A_138 : memref<1x2048xi32, #tpu.memory_space<hbm>> -> memref<2048xi32, #tpu.memory_space<hbm>>
      tpu.enqueue_dma source(%dma_start3A_139 : memref<2048xi32, #tpu.memory_space<hbm>>) target(%arg8 : memref<2048xi32, #tpu.memory_space<vmem>>) target_semaphore(%run_scoped3A : memref<!tpu.dma_semaphore, #tpu.memory_space<semaphore_mem>>)
      %dma_wait3A_140 = arith.constant 0 : i32
      %dma_wait3A_141 = tpu.memref_slice %arg2[%select_n3A, %dma_wait3A_140] : memref<8x2048xi32, #tpu.memory_space<hbm>> -> memref<1x2048xi32, #tpu.memory_space<hbm>>
      %dma_wait3A_142 = tpu.memref_squeeze %dma_wait3A_141 : memref<1x2048xi32, #tpu.memory_space<hbm>> -> memref<2048xi32, #tpu.memory_space<hbm>>
      %dma_wait3A_143 = arith.constant 0 : i32
      %dma_wait3A_144 = tpu.memref_slice %arg2[%select_n3A, %dma_wait3A_143] : memref<8x2048xi32, #tpu.memory_space<hbm>> -> memref<1x2048xi32, #tpu.memory_space<hbm>>
      %dma_wait3A_145 = tpu.memref_squeeze %dma_wait3A_144 : memref<1x2048xi32, #tpu.memory_space<hbm>> -> memref<2048xi32, #tpu.memory_space<hbm>>
      tpu.wait_dma2 semaphore(%run_scoped3A : memref<!tpu.dma_semaphore, #tpu.memory_space<semaphore_mem>>) src(%dma_wait3A_145 : memref<2048xi32, #tpu.memory_space<hbm>>) dst(%arg8 : memref<2048xi32, #tpu.memory_space<vmem>>)
      tpu.yield
    }) : () -> ()
    "tpu.region"() ({
      %run_scoped3A = tpu.sem_alloc : memref<!tpu.dma_semaphore, #tpu.memory_space<semaphore_mem>>
      tpu.enqueue_dma source(%arg3 : memref<16xi32, #tpu.memory_space<hbm>>) target(%arg9 : memref<16xi32, #tpu.memory_space<vmem>>) target_semaphore(%run_scoped3A : memref<!tpu.dma_semaphore, #tpu.memory_space<semaphore_mem>>)
      tpu.wait_dma2 semaphore(%run_scoped3A : memref<!tpu.dma_semaphore, #tpu.memory_space<semaphore_mem>>) src(%arg3 : memref<16xi32, #tpu.memory_space<hbm>>) dst(%arg9 : memref<16xi32, #tpu.memory_space<vmem>>)
      tpu.yield
    }) : () -> ()
    %iota3A = tpu.iota {dimensions = array<i32: 0>} : vector<16xi32>
    %sub3A_31 = arith.constant 1 : i32
    %sub3A_32 = vector.broadcast %sub3A_31 : i32 to vector<16xi32>
    %sub3A_33 = arith.subi %iota3A, %sub3A_32 : vector<16xi32>
    %max3A = arith.constant 0 : i32
    %max3A_34 = vector.broadcast %max3A : i32 to vector<16xi32>
    %max3A_35 = arith.maxsi %sub3A_33, %max3A_34 : vector<16xi32>
    %sub3A_36 = arith.constant 2 : i32
    %sub3A_37 = vector.broadcast %sub3A_36 : i32 to vector<16xi32>
    %sub3A_38 = arith.subi %iota3A, %sub3A_37 : vector<16xi32>
    %max3A_39 = arith.constant 0 : i32
    %max3A_40 = vector.broadcast %max3A_39 : i32 to vector<16xi32>
    %max3A_41 = arith.maxsi %sub3A_38, %max3A_40 : vector<16xi32>
    %sub3A_42 = arith.constant 4 : i32
    %sub3A_43 = vector.broadcast %sub3A_42 : i32 to vector<16xi32>
    %sub3A_44 = arith.subi %iota3A, %sub3A_43 : vector<16xi32>
    %max3A_45 = arith.constant 0 : i32
    %max3A_46 = vector.broadcast %max3A_45 : i32 to vector<16xi32>
    %max3A_47 = arith.maxsi %sub3A_44, %max3A_46 : vector<16xi32>
    %sub3A_48 = arith.constant 8 : i32
    %sub3A_49 = vector.broadcast %sub3A_48 : i32 to vector<16xi32>
    %sub3A_50 = arith.subi %iota3A, %sub3A_49 : vector<16xi32>
    %max3A_51 = arith.constant 0 : i32
    %max3A_52 = vector.broadcast %max3A_51 : i32 to vector<16xi32>
    %max3A_53 = arith.maxsi %sub3A_50, %max3A_52 : vector<16xi32>
    %ge3A = arith.constant 1 : i32
    %ge3A_54 = vector.broadcast %ge3A : i32 to vector<16xi32>
    %ge3A_55 = arith.cmpi sge, %iota3A, %ge3A_54 : vector<16xi32>
    %ge3A_56 = arith.constant 2 : i32
    %ge3A_57 = vector.broadcast %ge3A_56 : i32 to vector<16xi32>
    %ge3A_58 = arith.cmpi sge, %iota3A, %ge3A_57 : vector<16xi32>
    %ge3A_59 = arith.constant 4 : i32
    %ge3A_60 = vector.broadcast %ge3A_59 : i32 to vector<16xi32>
    %ge3A_61 = arith.cmpi sge, %iota3A, %ge3A_60 : vector<16xi32>
    %ge3A_62 = arith.constant 8 : i32
    %ge3A_63 = vector.broadcast %ge3A_62 : i32 to vector<16xi32>
    %ge3A_64 = arith.cmpi sge, %iota3A, %ge3A_63 : vector<16xi32>
    %broadcast_in_dim3A = arith.constant 0 : i32
    %broadcast_in_dim3A_65 = vector.broadcast %broadcast_in_dim3A : i32 to vector<16xi32>
    %scan3A = arith.constant 0 : i32
    %scan3A_66 = arith.constant 128 : i32
    %scan3A_67 = arith.addi %scan3A, %scan3A_66 : i32
    %scan3A_68 = arith.constant 1 : i32
    %scan3A_69 = scf.for %scan3A_134 = %scan3A to %scan3A_67 step %scan3A_68 iter_args(%scan3A_135 = %broadcast_in_dim3A_65) -> (vector<16xi32>)  : i32 {
      %mul3A_136 = arith.constant 16 : i32
      %mul3A_137 = arith.muli %scan3A_134, %mul3A_136 : i32
      %get3A = arith.index_cast %mul3A_137 : i32 to index
      %get3A_138 = tpu.vector_load %arg8[%get3A] {strides = array<i32>} : memref<2048xi32, #tpu.memory_space<vmem>>, vector<16xi32>,
      %swap3A = arith.constant 0 : index
      %swap3A_139 = tpu.vector_load %arg12[%swap3A] {strides = array<i32>} : memref<16xi32, #tpu.memory_space<vmem>>, vector<16xi32>,
      tpu.vector_store %arg12[%swap3A], %get3A_138 {strides = array<i32>} : memref<16xi32, #tpu.memory_space<vmem>>, vector<16xi32>,
      %gather3A_140 = tpu.vector_load_idx %arg12[%max3A_35] : memref<16xi32, #tpu.memory_space<vmem>>[vector<16xi32>], vector<16xi32>,
      %jit3A_141 = arith.constant 0 : i32
      %broadcast_in_dim3A_142 = vector.broadcast %jit3A_141 : i32 to vector<16xi32>
      %select_n3A_143 = arith.select %ge3A_55, %gather3A_140, %broadcast_in_dim3A_142 : vector<16xi1>, vector<16xi32>
      %add3A_144 = arith.addi %get3A_138, %select_n3A_143 : vector<16xi32>
      %swap3A_145 = arith.constant 0 : index
      %swap3A_146 = tpu.vector_load %arg12[%swap3A_145] {strides = array<i32>} : memref<16xi32, #tpu.memory_space<vmem>>, vector<16xi32>,
      tpu.vector_store %arg12[%swap3A_145], %add3A_144 {strides = array<i32>} : memref<16xi32, #tpu.memory_space<vmem>>, vector<16xi32>,
      %gather3A_147 = tpu.vector_load_idx %arg12[%max3A_41] : memref<16xi32, #tpu.memory_space<vmem>>[vector<16xi32>], vector<16xi32>,
      %jit3A_148 = arith.constant 0 : i32
      %broadcast_in_dim3A_149 = vector.broadcast %jit3A_148 : i32 to vector<16xi32>
      %select_n3A_150 = arith.select %ge3A_58, %gather3A_147, %broadcast_in_dim3A_149 : vector<16xi1>, vector<16xi32>
      %add3A_151 = arith.addi %add3A_144, %select_n3A_150 : vector<16xi32>
      %swap3A_152 = arith.constant 0 : index
      %swap3A_153 = tpu.vector_load %arg12[%swap3A_152] {strides = array<i32>} : memref<16xi32, #tpu.memory_space<vmem>>, vector<16xi32>,
      tpu.vector_store %arg12[%swap3A_152], %add3A_151 {strides = array<i32>} : memref<16xi32, #tpu.memory_space<vmem>>, vector<16xi32>,
      %gather3A_154 = tpu.vector_load_idx %arg12[%max3A_47] : memref<16xi32, #tpu.memory_space<vmem>>[vector<16xi32>], vector<16xi32>,
      %jit3A_155 = arith.constant 0 : i32
      %broadcast_in_dim3A_156 = vector.broadcast %jit3A_155 : i32 to vector<16xi32>
      %select_n3A_157 = arith.select %ge3A_61, %gather3A_154, %broadcast_in_dim3A_156 : vector<16xi1>, vector<16xi32>
      %add3A_158 = arith.addi %add3A_151, %select_n3A_157 : vector<16xi32>
      %swap3A_159 = arith.constant 0 : index
      %swap3A_160 = tpu.vector_load %arg12[%swap3A_159] {strides = array<i32>} : memref<16xi32, #tpu.memory_space<vmem>>, vector<16xi32>,
      tpu.vector_store %arg12[%swap3A_159], %add3A_158 {strides = array<i32>} : memref<16xi32, #tpu.memory_space<vmem>>, vector<16xi32>,
      %gather3A_161 = tpu.vector_load_idx %arg12[%max3A_53] : memref<16xi32, #tpu.memory_space<vmem>>[vector<16xi32>], vector<16xi32>,
      %jit3A_162 = arith.constant 0 : i32
      %broadcast_in_dim3A_163 = vector.broadcast %jit3A_162 : i32 to vector<16xi32>
      %select_n3A_164 = arith.select %ge3A_64, %gather3A_161, %broadcast_in_dim3A_163 : vector<16xi1>, vector<16xi32>
      %add3A_165 = arith.addi %add3A_158, %select_n3A_164 : vector<16xi32>
      %add3A_166 = arith.addi %add3A_165, %scan3A_135 : vector<16xi32>
      %mul3A_167 = arith.constant 16 : i32
      %mul3A_168 = arith.muli %scan3A_134, %mul3A_167 : i32
      %swap3A_169 = arith.index_cast %mul3A_168 : i32 to index
      %swap3A_170 = tpu.vector_load %arg10[%swap3A_169] {strides = array<i32>} : memref<2048xi32, #tpu.memory_space<vmem>>, vector<16xi32>,
      tpu.vector_store %arg10[%swap3A_169], %add3A_166 {strides = array<i32>} : memref<2048xi32, #tpu.memory_space<vmem>>, vector<16xi32>,
      %mul3A_171 = arith.constant 16 : i32
      %mul3A_172 = arith.muli %scan3A_134, %mul3A_171 : i32
      %add3A_173 = arith.constant 16 : i32
      %add3A_174 = arith.addi %mul3A_172, %add3A_173 : i32
      %sub3A_175 = arith.constant 1 : i32
      %sub3A_176 = arith.subi %add3A_174, %sub3A_175 : i32
      %broadcast_in_dim3A_177 = vector.broadcast %sub3A_176 : i32 to vector<16xi32>
      %gather3A_178 = tpu.vector_load_idx %arg10[%broadcast_in_dim3A_177] : memref<2048xi32, #tpu.memory_space<vmem>>[vector<16xi32>], vector<16xi32>,
      scf.yield %gather3A_178 : vector<16xi32>
    }
    %scan3A_70 = arith.constant 128 : i32
    %broadcast_in_dim3A_71 = vector.broadcast %select_n3A_30 : i32 to vector<16xi32>
    %gather3A = tpu.vector_load_idx %arg9[%broadcast_in_dim3A_71] : memref<16xi32, #tpu.memory_space<vmem>>[vector<16xi32>], vector<16xi32>,
    %gather3A_72 = tpu.vector_load_idx %arg10[%gather3A] : memref<2048xi32, #tpu.memory_space<vmem>>[vector<16xi32>], vector<16xi32>,
    %sub3A_73 = arith.constant 2048 : i32
    %sub3A_74 = vector.broadcast %sub3A_73 : i32 to vector<16xi32>
    %sub3A_75 = arith.subi %sub3A_74, %gather3A_72 : vector<16xi32>
    %scan3A_76 = arith.constant 0 : i32
    %scan3A_77 = arith.constant 0 : i32
    %scan3A_78 = arith.constant 64 : i32
    %scan3A_79 = arith.addi %scan3A_77, %scan3A_78 : i32
    %scan3A_80 = arith.constant 1 : i32
    %scan3A_81 = scf.for %scan3A_134 = %scan3A_77 to %scan3A_79 step %scan3A_80 iter_args(%scan3A_135 = %scan3A_76) -> (i32)  : i32 {
      %mul3A_136 = arith.constant 2 : i32
      %mul3A_137 = arith.muli %scan3A_134, %mul3A_136 : i32
      %add3A_138 = arith.constant 0 : i32
      %add3A_139 = arith.addi %mul3A_137, %add3A_138 : i32
      %mul3A_140 = arith.constant 16 : i32
      %mul3A_141 = arith.muli %add3A_139, %mul3A_140 : i32
      %get3A = arith.index_cast %mul3A_141 : i32 to index
      %get3A_142 = tpu.vector_load %arg10[%get3A] {strides = array<i32>} : memref<2048xi32, #tpu.memory_space<vmem>>, vector<16xi32>,
      %add3A_143 = arith.addi %get3A_142, %sub3A_75 : vector<16xi32>
      %jit3A_144 = arith.constant 0 : i32
      %jit3A_145 = arith.constant 4095 : i32
      %max3A_146 = vector.broadcast %jit3A_144 : i32 to vector<16xi32>
      %max3A_147 = arith.maxsi %max3A_146, %add3A_143 : vector<16xi32>
      %min3A = vector.broadcast %jit3A_145 : i32 to vector<16xi32>
      %min3A_148 = arith.minsi %min3A, %max3A_147 : vector<16xi32>
      %swap3A = arith.index_cast %scan3A_134 : i32 to index
      %swap3A_149 = arith.constant 0 : index
      %swap3A_150 = tpu.vector_load %arg11[%swap3A, %swap3A_149] {strides = array<i32>} : memref<64x32xi32, #tpu.memory_space<vmem>>, vector<16xi32>,
      tpu.vector_store %arg11[%swap3A, %swap3A_149], %min3A_148 {strides = array<i32>} : memref<64x32xi32, #tpu.memory_space<vmem>>, vector<16xi32>,
      %mul3A_151 = arith.constant 2 : i32
      %mul3A_152 = arith.muli %scan3A_134, %mul3A_151 : i32
      %add3A_153 = arith.constant 1 : i32
      %add3A_154 = arith.addi %mul3A_152, %add3A_153 : i32
      %mul3A_155 = arith.constant 16 : i32
      %mul3A_156 = arith.muli %add3A_154, %mul3A_155 : i32
      %get3A_157 = arith.index_cast %mul3A_156 : i32 to index
      %get3A_158 = tpu.vector_load %arg10[%get3A_157] {strides = array<i32>} : memref<2048xi32, #tpu.memory_space<vmem>>, vector<16xi32>,
      %add3A_159 = arith.addi %get3A_158, %sub3A_75 : vector<16xi32>
      %jit3A_160 = arith.constant 0 : i32
      %jit3A_161 = arith.constant 4095 : i32
      %max3A_162 = vector.broadcast %jit3A_160 : i32 to vector<16xi32>
      %max3A_163 = arith.maxsi %max3A_162, %add3A_159 : vector<16xi32>
      %min3A_164 = vector.broadcast %jit3A_161 : i32 to vector<16xi32>
      %min3A_165 = arith.minsi %min3A_164, %max3A_163 : vector<16xi32>
      %swap3A_166 = arith.index_cast %scan3A_134 : i32 to index
      %swap3A_167 = arith.constant 16 : index
      %swap3A_168 = tpu.vector_load %arg11[%swap3A_166, %swap3A_167] {strides = array<i32>} : memref<64x32xi32, #tpu.memory_space<vmem>>, vector<16xi32>,
      tpu.vector_store %arg11[%swap3A_166, %swap3A_167], %min3A_165 {strides = array<i32>} : memref<64x32xi32, #tpu.memory_space<vmem>>, vector<16xi32>,
      %scan3A_169 = arith.constant 0 : i32
      scf.yield %scan3A_169 : i32
    }
    %scan3A_82 = arith.constant 64 : i32
    %dma_start3A = arith.constant 0 : i32
    %dma_start3A_83 = arith.constant 0 : i32
    %dma_start3A_84 = tpu.memref_slice %arg11[%dma_start3A, %dma_start3A_83] : memref<64x32xi32, #tpu.memory_space<vmem>> -> memref<1x32xi32, #tpu.memory_space<vmem>>
    %dma_start3A_85 = tpu.memref_squeeze %dma_start3A_84 : memref<1x32xi32, #tpu.memory_space<vmem>> -> memref<32xi32, #tpu.memory_space<vmem>>
    %dma_start3A_86 = arith.constant 0 : i32
    %dma_start3A_87 = arith.constant 0 : i32
    %dma_start3A_88 = tpu.memref_slice %arg4[%dma_start3A_86, %dma_start3A_87] : memref<4096x768xf32, #tpu.memory_space<hbm>> -> memref<4096x768xf32, #tpu.memory_space<hbm>>
    tpu.enqueue_indirect_dma source(%dma_start3A_88 : memref<4096x768xf32, #tpu.memory_space<hbm>>) target(%arg13 : memref<32x768xf32, #tpu.memory_space<vmem>>) offsets(%dma_start3A_85 : memref<32xi32, #tpu.memory_space<vmem>>) semaphore(%arg17 : memref<!tpu.dma_semaphore, #tpu.memory_space<semaphore_mem>>)
    %dma_start3A_89 = arith.constant 0 : i32
    %dma_start3A_90 = arith.constant 0 : i32
    %dma_start3A_91 = tpu.memref_slice %arg11[%dma_start3A_89, %dma_start3A_90] : memref<64x32xi32, #tpu.memory_space<vmem>> -> memref<1x32xi32, #tpu.memory_space<vmem>>
    %dma_start3A_92 = tpu.memref_squeeze %dma_start3A_91 : memref<1x32xi32, #tpu.memory_space<vmem>> -> memref<32xi32, #tpu.memory_space<vmem>>
    %dma_start3A_93 = arith.constant 0 : i32
    %dma_start3A_94 = arith.constant 0 : i32
    %dma_start3A_95 = tpu.memref_slice %arg5[%dma_start3A_93, %dma_start3A_94] : memref<4096x768xf32, #tpu.memory_space<hbm>> -> memref<4096x768xf32, #tpu.memory_space<hbm>>
    tpu.enqueue_indirect_dma source(%dma_start3A_95 : memref<4096x768xf32, #tpu.memory_space<hbm>>) target(%arg14 : memref<32x768xf32, #tpu.memory_space<vmem>>) offsets(%dma_start3A_92 : memref<32xi32, #tpu.memory_space<vmem>>) semaphore(%arg18 : memref<!tpu.dma_semaphore, #tpu.memory_space<semaphore_mem>>)
    %scan3A_96 = arith.constant 0 : i32
    %scan3A_97 = arith.constant 0 : i32
    %scan3A_98 = arith.constant 32 : i32
    %scan3A_99 = arith.addi %scan3A_97, %scan3A_98 : i32
    %scan3A_100 = arith.constant 1 : i32
    %scan3A_101 = scf.for %scan3A_134 = %scan3A_97 to %scan3A_99 step %scan3A_100 iter_args(%scan3A_135 = %scan3A_96) -> (i32)  : i32 {
      %mul3A_136 = arith.constant 4 : i32
      %mul3A_137 = arith.muli %scan3A_134, %mul3A_136 : i32
      %add3A_138 = arith.constant 0 : i32
      %add3A_139 = arith.addi %mul3A_137, %add3A_138 : i32
      %add3A_140 = arith.constant 2 : i32
      %add3A_141 = arith.addi %add3A_139, %add3A_140 : i32
      %lt3A_142 = arith.constant 128 : i32
      %lt3A_143 = arith.cmpi slt, %add3A_141, %lt3A_142 : i32
      %convert_element_type3A = arith.extui %lt3A_143 : i1 to i32
      %cond3A = arith.constant 0 : i32
      %cond3A_144 = arith.cmpi ne, %convert_element_type3A, %cond3A : i32
      scf.if %cond3A_144 {
        %ge3A_329 = arith.constant 2 : i32
        %ge3A_330 = arith.cmpi sge, %add3A_139, %ge3A_329 : i32
        %convert_element_type3A_331 = arith.extui %ge3A_330 : i1 to i32
        %cond3A_332 = arith.constant 0 : i32
        %cond3A_333 = arith.cmpi ne, %convert_element_type3A_331, %cond3A_332 : i32
        scf.if %cond3A_333 {
          %dma_wait3A_366 = arith.constant 0 : i32
          %dma_wait3A_367 = arith.constant 0 : i32
          %dma_wait3A_368 = tpu.memref_slice %arg6[%select_n3A, %dma_wait3A_366, %select_n3A_30, %dma_wait3A_367] : memref<8x2048x4x768xf32, #tpu.memory_space<hbm>> -> memref<1x32x1x768xf32, #tpu.memory_space<hbm>>
          %dma_wait3A_369 = tpu.memref_squeeze %dma_wait3A_368 : memref<1x32x1x768xf32, #tpu.memory_space<hbm>> -> memref<32x768xf32, #tpu.memory_space<hbm>>
          %dma_wait3A_370 = arith.constant 0 : i32
          %dma_wait3A_371 = arith.constant 0 : i32
          %dma_wait3A_372 = tpu.memref_slice %arg6[%select_n3A, %dma_wait3A_370, %select_n3A_30, %dma_wait3A_371] : memref<8x2048x4x768xf32, #tpu.memory_space<hbm>> -> memref<1x32x1x768xf32, #tpu.memory_space<hbm>>
          %dma_wait3A_373 = tpu.memref_squeeze %dma_wait3A_372 : memref<1x32x1x768xf32, #tpu.memory_space<hbm>> -> memref<32x768xf32, #tpu.memory_space<hbm>>
          tpu.wait_dma2 semaphore(%arg23 : memref<!tpu.dma_semaphore, #tpu.memory_space<semaphore_mem>>) src(%arg15 : memref<32x768xf32, #tpu.memory_space<vmem>>) dst(%dma_wait3A_373 : memref<32x768xf32, #tpu.memory_space<hbm>>)
        } else {
        }
        %add3A_334 = arith.constant 2 : i32
        %add3A_335 = arith.addi %add3A_139, %add3A_334 : i32
        %jit3A_336 = arith.constant 2 : i32
        %div3A_337 = arith.divsi %add3A_335, %jit3A_336 : i32
        %sign3A_338 = arith.constant 0 : i32
        %sign3A_339 = arith.cmpi sgt, %add3A_335, %sign3A_338 : i32
        %sign3A_340 = arith.extui %sign3A_339 : i1 to i32
        %sign3A_341 = arith.constant 0 : i32
        %sign3A_342 = arith.cmpi slt, %add3A_335, %sign3A_341 : i32
        %sign3A_343 = arith.extui %sign3A_342 : i1 to i32
        %sign3A_344 = arith.subi %sign3A_340, %sign3A_343 : i32
        %sign3A_345 = arith.constant 0 : i32
        %sign3A_346 = arith.cmpi sgt, %jit3A_336, %sign3A_345 : i32
        %sign3A_347 = arith.extui %sign3A_346 : i1 to i32
        %sign3A_348 = arith.constant 0 : i32
        %sign3A_349 = arith.cmpi slt, %jit3A_336, %sign3A_348 : i32
        %sign3A_350 = arith.extui %sign3A_349 : i1 to i32
        %sign3A_351 = arith.subi %sign3A_347, %sign3A_350 : i32
        %ne3A_352 = arith.cmpi ne, %sign3A_344, %sign3A_351 : i32
        %rem3A_353 = arith.remsi %add3A_335, %jit3A_336 : i32
        %ne3A_354 = arith.constant 0 : i32
        %ne3A_355 = arith.cmpi ne, %rem3A_353, %ne3A_354 : i32
        %and3A_356 = arith.andi %ne3A_352, %ne3A_355 : i1
        %sub3A_357 = arith.constant 1 : i32
        %sub3A_358 = arith.subi %div3A_337, %sub3A_357 : i32
        %select_n3A_359 = arith.select %and3A_356, %sub3A_358, %div3A_337 : i32
        %dma_start3A_360 = arith.constant 0 : i32
        %dma_start3A_361 = tpu.memref_slice %arg11[%select_n3A_359, %dma_start3A_360] : memref<64x32xi32, #tpu.memory_space<vmem>> -> memref<1x32xi32, #tpu.memory_space<vmem>>
        %dma_start3A_362 = tpu.memref_squeeze %dma_start3A_361 : memref<1x32xi32, #tpu.memory_space<vmem>> -> memref<32xi32, #tpu.memory_space<vmem>>
        %dma_start3A_363 = arith.constant 0 : i32
        %dma_start3A_364 = arith.constant 0 : i32
        %dma_start3A_365 = tpu.memref_slice %arg4[%dma_start3A_363, %dma_start3A_364] : memref<4096x768xf32, #tpu.memory_space<hbm>> -> memref<4096x768xf32, #tpu.memory_space<hbm>>
        tpu.enqueue_indirect_dma source(%dma_start3A_365 : memref<4096x768xf32, #tpu.memory_space<hbm>>) target(%arg15 : memref<32x768xf32, #tpu.memory_space<vmem>>) offsets(%dma_start3A_362 : memref<32xi32, #tpu.memory_space<vmem>>) semaphore(%arg19 : memref<!tpu.dma_semaphore, #tpu.memory_space<semaphore_mem>>)
      } else {
      }
      %dma_wait3A_145 = arith.constant 0 : i32
      %dma_wait3A_146 = arith.constant 0 : i32
      %dma_wait3A_147 = tpu.memref_slice %arg11[%dma_wait3A_145, %dma_wait3A_146] : memref<64x32xi32, #tpu.memory_space<vmem>> -> memref<1x32xi32, #tpu.memory_space<vmem>>
      %dma_wait3A_148 = tpu.memref_squeeze %dma_wait3A_147 : memref<1x32xi32, #tpu.memory_space<vmem>> -> memref<32xi32, #tpu.memory_space<vmem>>
      %dma_wait3A_149 = arith.constant 0 : i32
      %dma_wait3A_150 = arith.constant 0 : i32
      %dma_wait3A_151 = tpu.memref_slice %arg4[%dma_wait3A_149, %dma_wait3A_150] : memref<4096x768xf32, #tpu.memory_space<hbm>> -> memref<4096x768xf32, #tpu.memory_space<hbm>>
      tpu.wait_indirect_dma semaphore(%arg17 : memref<!tpu.dma_semaphore, #tpu.memory_space<semaphore_mem>>) src(%dma_wait3A_151 : memref<4096x768xf32, #tpu.memory_space<hbm>>) dst(%arg13 : memref<32x768xf32, #tpu.memory_space<vmem>>)
      %jit3A_152 = arith.constant 2 : i32
      %div3A_153 = arith.divsi %add3A_139, %jit3A_152 : i32
      %sign3A_154 = arith.constant 0 : i32
      %sign3A_155 = arith.cmpi sgt, %add3A_139, %sign3A_154 : i32
      %sign3A_156 = arith.extui %sign3A_155 : i1 to i32
      %sign3A_157 = arith.constant 0 : i32
      %sign3A_158 = arith.cmpi slt, %add3A_139, %sign3A_157 : i32
      %sign3A_159 = arith.extui %sign3A_158 : i1 to i32
      %sign3A_160 = arith.subi %sign3A_156, %sign3A_159 : i32
      %sign3A_161 = arith.constant 0 : i32
      %sign3A_162 = arith.cmpi sgt, %jit3A_152, %sign3A_161 : i32
      %sign3A_163 = arith.extui %sign3A_162 : i1 to i32
      %sign3A_164 = arith.constant 0 : i32
      %sign3A_165 = arith.cmpi slt, %jit3A_152, %sign3A_164 : i32
      %sign3A_166 = arith.extui %sign3A_165 : i1 to i32
      %sign3A_167 = arith.subi %sign3A_163, %sign3A_166 : i32
      %ne3A_168 = arith.cmpi ne, %sign3A_160, %sign3A_167 : i32
      %rem3A_169 = arith.remsi %add3A_139, %jit3A_152 : i32
      %ne3A_170 = arith.constant 0 : i32
      %ne3A_171 = arith.cmpi ne, %rem3A_169, %ne3A_170 : i32
      %and3A_172 = arith.andi %ne3A_168, %ne3A_171 : i1
      %sub3A_173 = arith.constant 1 : i32
      %sub3A_174 = arith.subi %div3A_153, %sub3A_173 : i32
      %select_n3A_175 = arith.select %and3A_172, %sub3A_174, %div3A_153 : i32
      %mul3A_176 = arith.constant 32 : i32
      %mul3A_177 = arith.muli %select_n3A_175, %mul3A_176 : i32
      %dma_start3A_178 = arith.constant 0 : i32
      %dma_start3A_179 = tpu.memref_slice %arg6[%select_n3A, %mul3A_177, %select_n3A_30, %dma_start3A_178] : memref<8x2048x4x768xf32, #tpu.memory_space<hbm>> -> memref<1x32x1x768xf32, #tpu.memory_space<hbm>>
      %dma_start3A_180 = tpu.memref_squeeze %dma_start3A_179 : memref<1x32x1x768xf32, #tpu.memory_space<hbm>> -> memref<32x768xf32, #tpu.memory_space<hbm>>
      %dma_start3A_181 = arith.constant 0 : i32
      %dma_start3A_182 = tpu.memref_slice %arg6[%select_n3A, %mul3A_177, %select_n3A_30, %dma_start3A_181] : memref<8x2048x4x768xf32, #tpu.memory_space<hbm>> -> memref<1x32x1x768xf32, #tpu.memory_space<hbm>>
      %dma_start3A_183 = tpu.memref_squeeze %dma_start3A_182 : memref<1x32x1x768xf32, #tpu.memory_space<hbm>> -> memref<32x768xf32, #tpu.memory_space<hbm>>
      tpu.enqueue_dma source(%arg13 : memref<32x768xf32, #tpu.memory_space<vmem>>) target(%dma_start3A_183 : memref<32x768xf32, #tpu.memory_space<hbm>>) target_semaphore(%arg21 : memref<!tpu.dma_semaphore, #tpu.memory_space<semaphore_mem>>)
      %add3A_184 = arith.constant 1 : i32
      %add3A_185 = arith.addi %mul3A_137, %add3A_184 : i32
      %add3A_186 = arith.constant 2 : i32
      %add3A_187 = arith.addi %add3A_185, %add3A_186 : i32
      %lt3A_188 = arith.constant 128 : i32
      %lt3A_189 = arith.cmpi slt, %add3A_187, %lt3A_188 : i32
      %convert_element_type3A_190 = arith.extui %lt3A_189 : i1 to i32
      %cond3A_191 = arith.constant 0 : i32
      %cond3A_192 = arith.cmpi ne, %convert_element_type3A_190, %cond3A_191 : i32
      scf.if %cond3A_192 {
        %ge3A_329 = arith.constant 2 : i32
        %ge3A_330 = arith.cmpi sge, %add3A_185, %ge3A_329 : i32
        %convert_element_type3A_331 = arith.extui %ge3A_330 : i1 to i32
        %cond3A_332 = arith.constant 0 : i32
        %cond3A_333 = arith.cmpi ne, %convert_element_type3A_331, %cond3A_332 : i32
        scf.if %cond3A_333 {
          %dma_wait3A_366 = arith.constant 0 : i32
          %dma_wait3A_367 = arith.constant 0 : i32
          %dma_wait3A_368 = tpu.memref_slice %arg7[%select_n3A, %dma_wait3A_366, %select_n3A_30, %dma_wait3A_367] : memref<8x2048x4x768xf32, #tpu.memory_space<hbm>> -> memref<1x32x1x768xf32, #tpu.memory_space<hbm>>
          %dma_wait3A_369 = tpu.memref_squeeze %dma_wait3A_368 : memref<1x32x1x768xf32, #tpu.memory_space<hbm>> -> memref<32x768xf32, #tpu.memory_space<hbm>>
          %dma_wait3A_370 = arith.constant 0 : i32
          %dma_wait3A_371 = arith.constant 0 : i32
          %dma_wait3A_372 = tpu.memref_slice %arg7[%select_n3A, %dma_wait3A_370, %select_n3A_30, %dma_wait3A_371] : memref<8x2048x4x768xf32, #tpu.memory_space<hbm>> -> memref<1x32x1x768xf32, #tpu.memory_space<hbm>>
          %dma_wait3A_373 = tpu.memref_squeeze %dma_wait3A_372 : memref<1x32x1x768xf32, #tpu.memory_space<hbm>> -> memref<32x768xf32, #tpu.memory_space<hbm>>
          tpu.wait_dma2 semaphore(%arg24 : memref<!tpu.dma_semaphore, #tpu.memory_space<semaphore_mem>>) src(%arg16 : memref<32x768xf32, #tpu.memory_space<vmem>>) dst(%dma_wait3A_373 : memref<32x768xf32, #tpu.memory_space<hbm>>)
        } else {
        }
        %add3A_334 = arith.constant 2 : i32
        %add3A_335 = arith.addi %add3A_185, %add3A_334 : i32
        %jit3A_336 = arith.constant 2 : i32
        %div3A_337 = arith.divsi %add3A_335, %jit3A_336 : i32
        %sign3A_338 = arith.constant 0 : i32
        %sign3A_339 = arith.cmpi sgt, %add3A_335, %sign3A_338 : i32
        %sign3A_340 = arith.extui %sign3A_339 : i1 to i32
        %sign3A_341 = arith.constant 0 : i32
        %sign3A_342 = arith.cmpi slt, %add3A_335, %sign3A_341 : i32
        %sign3A_343 = arith.extui %sign3A_342 : i1 to i32
        %sign3A_344 = arith.subi %sign3A_340, %sign3A_343 : i32
        %sign3A_345 = arith.constant 0 : i32
        %sign3A_346 = arith.cmpi sgt, %jit3A_336, %sign3A_345 : i32
        %sign3A_347 = arith.extui %sign3A_346 : i1 to i32
        %sign3A_348 = arith.constant 0 : i32
        %sign3A_349 = arith.cmpi slt, %jit3A_336, %sign3A_348 : i32
        %sign3A_350 = arith.extui %sign3A_349 : i1 to i32
        %sign3A_351 = arith.subi %sign3A_347, %sign3A_350 : i32
        %ne3A_352 = arith.cmpi ne, %sign3A_344, %sign3A_351 : i32
        %rem3A_353 = arith.remsi %add3A_335, %jit3A_336 : i32
        %ne3A_354 = arith.constant 0 : i32
        %ne3A_355 = arith.cmpi ne, %rem3A_353, %ne3A_354 : i32
        %and3A_356 = arith.andi %ne3A_352, %ne3A_355 : i1
        %sub3A_357 = arith.constant 1 : i32
        %sub3A_358 = arith.subi %div3A_337, %sub3A_357 : i32
        %select_n3A_359 = arith.select %and3A_356, %sub3A_358, %div3A_337 : i32
        %dma_start3A_360 = arith.constant 0 : i32
        %dma_start3A_361 = tpu.memref_slice %arg11[%select_n3A_359, %dma_start3A_360] : memref<64x32xi32, #tpu.memory_space<vmem>> -> memref<1x32xi32, #tpu.memory_space<vmem>>
        %dma_start3A_362 = tpu.memref_squeeze %dma_start3A_361 : memref<1x32xi32, #tpu.memory_space<vmem>> -> memref<32xi32, #tpu.memory_space<vmem>>
        %dma_start3A_363 = arith.constant 0 : i32
        %dma_start3A_364 = arith.constant 0 : i32
        %dma_start3A_365 = tpu.memref_slice %arg5[%dma_start3A_363, %dma_start3A_364] : memref<4096x768xf32, #tpu.memory_space<hbm>> -> memref<4096x768xf32, #tpu.memory_space<hbm>>
        tpu.enqueue_indirect_dma source(%dma_start3A_365 : memref<4096x768xf32, #tpu.memory_space<hbm>>) target(%arg16 : memref<32x768xf32, #tpu.memory_space<vmem>>) offsets(%dma_start3A_362 : memref<32xi32, #tpu.memory_space<vmem>>) semaphore(%arg20 : memref<!tpu.dma_semaphore, #tpu.memory_space<semaphore_mem>>)
      } else {
      }
      %dma_wait3A_193 = arith.constant 0 : i32
      %dma_wait3A_194 = arith.constant 0 : i32
      %dma_wait3A_195 = tpu.memref_slice %arg11[%dma_wait3A_193, %dma_wait3A_194] : memref<64x32xi32, #tpu.memory_space<vmem>> -> memref<1x32xi32, #tpu.memory_space<vmem>>
      %dma_wait3A_196 = tpu.memref_squeeze %dma_wait3A_195 : memref<1x32xi32, #tpu.memory_space<vmem>> -> memref<32xi32, #tpu.memory_space<vmem>>
      %dma_wait3A_197 = arith.constant 0 : i32
      %dma_wait3A_198 = arith.constant 0 : i32
      %dma_wait3A_199 = tpu.memref_slice %arg4[%dma_wait3A_197, %dma_wait3A_198] : memref<4096x768xf32, #tpu.memory_space<hbm>> -> memref<4096x768xf32, #tpu.memory_space<hbm>>
      tpu.wait_indirect_dma semaphore(%arg18 : memref<!tpu.dma_semaphore, #tpu.memory_space<semaphore_mem>>) src(%dma_wait3A_199 : memref<4096x768xf32, #tpu.memory_space<hbm>>) dst(%arg14 : memref<32x768xf32, #tpu.memory_space<vmem>>)
      %jit3A_200 = arith.constant 2 : i32
      %div3A_201 = arith.divsi %add3A_185, %jit3A_200 : i32
      %sign3A_202 = arith.constant 0 : i32
      %sign3A_203 = arith.cmpi sgt, %add3A_185, %sign3A_202 : i32
      %sign3A_204 = arith.extui %sign3A_203 : i1 to i32
      %sign3A_205 = arith.constant 0 : i32
      %sign3A_206 = arith.cmpi slt, %add3A_185, %sign3A_205 : i32
      %sign3A_207 = arith.extui %sign3A_206 : i1 to i32
      %sign3A_208 = arith.subi %sign3A_204, %sign3A_207 : i32
      %sign3A_209 = arith.constant 0 : i32
      %sign3A_210 = arith.cmpi sgt, %jit3A_200, %sign3A_209 : i32
      %sign3A_211 = arith.extui %sign3A_210 : i1 to i32
      %sign3A_212 = arith.constant 0 : i32
      %sign3A_213 = arith.cmpi slt, %jit3A_200, %sign3A_212 : i32
      %sign3A_214 = arith.extui %sign3A_213 : i1 to i32
      %sign3A_215 = arith.subi %sign3A_211, %sign3A_214 : i32
      %ne3A_216 = arith.cmpi ne, %sign3A_208, %sign3A_215 : i32
      %rem3A_217 = arith.remsi %add3A_185, %jit3A_200 : i32
      %ne3A_218 = arith.constant 0 : i32
      %ne3A_219 = arith.cmpi ne, %rem3A_217, %ne3A_218 : i32
      %and3A_220 = arith.andi %ne3A_216, %ne3A_219 : i1
      %sub3A_221 = arith.constant 1 : i32
      %sub3A_222 = arith.subi %div3A_201, %sub3A_221 : i32
      %select_n3A_223 = arith.select %and3A_220, %sub3A_222, %div3A_201 : i32
      %mul3A_224 = arith.constant 32 : i32
      %mul3A_225 = arith.muli %select_n3A_223, %mul3A_224 : i32
      %dma_start3A_226 = arith.constant 0 : i32
      %dma_start3A_227 = tpu.memref_slice %arg7[%select_n3A, %mul3A_225, %select_n3A_30, %dma_start3A_226] : memref<8x2048x4x768xf32, #tpu.memory_space<hbm>> -> memref<1x32x1x768xf32, #tpu.memory_space<hbm>>
      %dma_start3A_228 = tpu.memref_squeeze %dma_start3A_227 : memref<1x32x1x768xf32, #tpu.memory_space<hbm>> -> memref<32x768xf32, #tpu.memory_space<hbm>>
      %dma_start3A_229 = arith.constant 0 : i32
      %dma_start3A_230 = tpu.memref_slice %arg7[%select_n3A, %mul3A_225, %select_n3A_30, %dma_start3A_229] : memref<8x2048x4x768xf32, #tpu.memory_space<hbm>> -> memref<1x32x1x768xf32, #tpu.memory_space<hbm>>
      %dma_start3A_231 = tpu.memref_squeeze %dma_start3A_230 : memref<1x32x1x768xf32, #tpu.memory_space<hbm>> -> memref<32x768xf32, #tpu.memory_space<hbm>>
      tpu.enqueue_dma source(%arg14 : memref<32x768xf32, #tpu.memory_space<vmem>>) target(%dma_start3A_231 : memref<32x768xf32, #tpu.memory_space<hbm>>) target_semaphore(%arg22 : memref<!tpu.dma_semaphore, #tpu.memory_space<semaphore_mem>>)
      %add3A_232 = arith.constant 2 : i32
      %add3A_233 = arith.addi %mul3A_137, %add3A_232 : i32
      %add3A_234 = arith.constant 2 : i32
      %add3A_235 = arith.addi %add3A_233, %add3A_234 : i32
      %lt3A_236 = arith.constant 128 : i32
      %lt3A_237 = arith.cmpi slt, %add3A_235, %lt3A_236 : i32
      %convert_element_type3A_238 = arith.extui %lt3A_237 : i1 to i32
      %cond3A_239 = arith.constant 0 : i32
      %cond3A_240 = arith.cmpi ne, %convert_element_type3A_238, %cond3A_239 : i32
      scf.if %cond3A_240 {
        %ge3A_329 = arith.constant 2 : i32
        %ge3A_330 = arith.cmpi sge, %add3A_233, %ge3A_329 : i32
        %convert_element_type3A_331 = arith.extui %ge3A_330 : i1 to i32
        %cond3A_332 = arith.constant 0 : i32
        %cond3A_333 = arith.cmpi ne, %convert_element_type3A_331, %cond3A_332 : i32
        scf.if %cond3A_333 {
          %dma_wait3A_366 = arith.constant 0 : i32
          %dma_wait3A_367 = arith.constant 0 : i32
          %dma_wait3A_368 = tpu.memref_slice %arg6[%select_n3A, %dma_wait3A_366, %select_n3A_30, %dma_wait3A_367] : memref<8x2048x4x768xf32, #tpu.memory_space<hbm>> -> memref<1x32x1x768xf32, #tpu.memory_space<hbm>>
          %dma_wait3A_369 = tpu.memref_squeeze %dma_wait3A_368 : memref<1x32x1x768xf32, #tpu.memory_space<hbm>> -> memref<32x768xf32, #tpu.memory_space<hbm>>
          %dma_wait3A_370 = arith.constant 0 : i32
          %dma_wait3A_371 = arith.constant 0 : i32
          %dma_wait3A_372 = tpu.memref_slice %arg6[%select_n3A, %dma_wait3A_370, %select_n3A_30, %dma_wait3A_371] : memref<8x2048x4x768xf32, #tpu.memory_space<hbm>> -> memref<1x32x1x768xf32, #tpu.memory_space<hbm>>
          %dma_wait3A_373 = tpu.memref_squeeze %dma_wait3A_372 : memref<1x32x1x768xf32, #tpu.memory_space<hbm>> -> memref<32x768xf32, #tpu.memory_space<hbm>>
          tpu.wait_dma2 semaphore(%arg21 : memref<!tpu.dma_semaphore, #tpu.memory_space<semaphore_mem>>) src(%arg13 : memref<32x768xf32, #tpu.memory_space<vmem>>) dst(%dma_wait3A_373 : memref<32x768xf32, #tpu.memory_space<hbm>>)
        } else {
        }
        %add3A_334 = arith.constant 2 : i32
        %add3A_335 = arith.addi %add3A_233, %add3A_334 : i32
        %jit3A_336 = arith.constant 2 : i32
        %div3A_337 = arith.divsi %add3A_335, %jit3A_336 : i32
        %sign3A_338 = arith.constant 0 : i32
        %sign3A_339 = arith.cmpi sgt, %add3A_335, %sign3A_338 : i32
        %sign3A_340 = arith.extui %sign3A_339 : i1 to i32
        %sign3A_341 = arith.constant 0 : i32
        %sign3A_342 = arith.cmpi slt, %add3A_335, %sign3A_341 : i32
        %sign3A_343 = arith.extui %sign3A_342 : i1 to i32
        %sign3A_344 = arith.subi %sign3A_340, %sign3A_343 : i32
        %sign3A_345 = arith.constant 0 : i32
        %sign3A_346 = arith.cmpi sgt, %jit3A_336, %sign3A_345 : i32
        %sign3A_347 = arith.extui %sign3A_346 : i1 to i32
        %sign3A_348 = arith.constant 0 : i32
        %sign3A_349 = arith.cmpi slt, %jit3A_336, %sign3A_348 : i32
        %sign3A_350 = arith.extui %sign3A_349 : i1 to i32
        %sign3A_351 = arith.subi %sign3A_347, %sign3A_350 : i32
        %ne3A_352 = arith.cmpi ne, %sign3A_344, %sign3A_351 : i32
        %rem3A_353 = arith.remsi %add3A_335, %jit3A_336 : i32
        %ne3A_354 = arith.constant 0 : i32
        %ne3A_355 = arith.cmpi ne, %rem3A_353, %ne3A_354 : i32
        %and3A_356 = arith.andi %ne3A_352, %ne3A_355 : i1
        %sub3A_357 = arith.constant 1 : i32
        %sub3A_358 = arith.subi %div3A_337, %sub3A_357 : i32
        %select_n3A_359 = arith.select %and3A_356, %sub3A_358, %div3A_337 : i32
        %dma_start3A_360 = arith.constant 0 : i32
        %dma_start3A_361 = tpu.memref_slice %arg11[%select_n3A_359, %dma_start3A_360] : memref<64x32xi32, #tpu.memory_space<vmem>> -> memref<1x32xi32, #tpu.memory_space<vmem>>
        %dma_start3A_362 = tpu.memref_squeeze %dma_start3A_361 : memref<1x32xi32, #tpu.memory_space<vmem>> -> memref<32xi32, #tpu.memory_space<vmem>>
        %dma_start3A_363 = arith.constant 0 : i32
        %dma_start3A_364 = arith.constant 0 : i32
        %dma_start3A_365 = tpu.memref_slice %arg4[%dma_start3A_363, %dma_start3A_364] : memref<4096x768xf32, #tpu.memory_space<hbm>> -> memref<4096x768xf32, #tpu.memory_space<hbm>>
        tpu.enqueue_indirect_dma source(%dma_start3A_365 : memref<4096x768xf32, #tpu.memory_space<hbm>>) target(%arg13 : memref<32x768xf32, #tpu.memory_space<vmem>>) offsets(%dma_start3A_362 : memref<32xi32, #tpu.memory_space<vmem>>) semaphore(%arg17 : memref<!tpu.dma_semaphore, #tpu.memory_space<semaphore_mem>>)
      } else {
      }
      %dma_wait3A_241 = arith.constant 0 : i32
      %dma_wait3A_242 = arith.constant 0 : i32
      %dma_wait3A_243 = tpu.memref_slice %arg11[%dma_wait3A_241, %dma_wait3A_242] : memref<64x32xi32, #tpu.memory_space<vmem>> -> memref<1x32xi32, #tpu.memory_space<vmem>>
      %dma_wait3A_244 = tpu.memref_squeeze %dma_wait3A_243 : memref<1x32xi32, #tpu.memory_space<vmem>> -> memref<32xi32, #tpu.memory_space<vmem>>
      %dma_wait3A_245 = arith.constant 0 : i32
      %dma_wait3A_246 = arith.constant 0 : i32
      %dma_wait3A_247 = tpu.memref_slice %arg4[%dma_wait3A_245, %dma_wait3A_246] : memref<4096x768xf32, #tpu.memory_space<hbm>> -> memref<4096x768xf32, #tpu.memory_space<hbm>>
      tpu.wait_indirect_dma semaphore(%arg19 : memref<!tpu.dma_semaphore, #tpu.memory_space<semaphore_mem>>) src(%dma_wait3A_247 : memref<4096x768xf32, #tpu.memory_space<hbm>>) dst(%arg15 : memref<32x768xf32, #tpu.memory_space<vmem>>)
      %jit3A_248 = arith.constant 2 : i32
      %div3A_249 = arith.divsi %add3A_233, %jit3A_248 : i32
      %sign3A_250 = arith.constant 0 : i32
      %sign3A_251 = arith.cmpi sgt, %add3A_233, %sign3A_250 : i32
      %sign3A_252 = arith.extui %sign3A_251 : i1 to i32
      %sign3A_253 = arith.constant 0 : i32
      %sign3A_254 = arith.cmpi slt, %add3A_233, %sign3A_253 : i32
      %sign3A_255 = arith.extui %sign3A_254 : i1 to i32
      %sign3A_256 = arith.subi %sign3A_252, %sign3A_255 : i32
      %sign3A_257 = arith.constant 0 : i32
      %sign3A_258 = arith.cmpi sgt, %jit3A_248, %sign3A_257 : i32
      %sign3A_259 = arith.extui %sign3A_258 : i1 to i32
      %sign3A_260 = arith.constant 0 : i32
      %sign3A_261 = arith.cmpi slt, %jit3A_248, %sign3A_260 : i32
      %sign3A_262 = arith.extui %sign3A_261 : i1 to i32
      %sign3A_263 = arith.subi %sign3A_259, %sign3A_262 : i32
      %ne3A_264 = arith.cmpi ne, %sign3A_256, %sign3A_263 : i32
      %rem3A_265 = arith.remsi %add3A_233, %jit3A_248 : i32
      %ne3A_266 = arith.constant 0 : i32
      %ne3A_267 = arith.cmpi ne, %rem3A_265, %ne3A_266 : i32
      %and3A_268 = arith.andi %ne3A_264, %ne3A_267 : i1
      %sub3A_269 = arith.constant 1 : i32
      %sub3A_270 = arith.subi %div3A_249, %sub3A_269 : i32
      %select_n3A_271 = arith.select %and3A_268, %sub3A_270, %div3A_249 : i32
      %mul3A_272 = arith.constant 32 : i32
      %mul3A_273 = arith.muli %select_n3A_271, %mul3A_272 : i32
      %dma_start3A_274 = arith.constant 0 : i32
      %dma_start3A_275 = tpu.memref_slice %arg6[%select_n3A, %mul3A_273, %select_n3A_30, %dma_start3A_274] : memref<8x2048x4x768xf32, #tpu.memory_space<hbm>> -> memref<1x32x1x768xf32, #tpu.memory_space<hbm>>
      %dma_start3A_276 = tpu.memref_squeeze %dma_start3A_275 : memref<1x32x1x768xf32, #tpu.memory_space<hbm>> -> memref<32x768xf32, #tpu.memory_space<hbm>>
      %dma_start3A_277 = arith.constant 0 : i32
      %dma_start3A_278 = tpu.memref_slice %arg6[%select_n3A, %mul3A_273, %select_n3A_30, %dma_start3A_277] : memref<8x2048x4x768xf32, #tpu.memory_space<hbm>> -> memref<1x32x1x768xf32, #tpu.memory_space<hbm>>
      %dma_start3A_279 = tpu.memref_squeeze %dma_start3A_278 : memref<1x32x1x768xf32, #tpu.memory_space<hbm>> -> memref<32x768xf32, #tpu.memory_space<hbm>>
      tpu.enqueue_dma source(%arg15 : memref<32x768xf32, #tpu.memory_space<vmem>>) target(%dma_start3A_279 : memref<32x768xf32, #tpu.memory_space<hbm>>) target_semaphore(%arg23 : memref<!tpu.dma_semaphore, #tpu.memory_space<semaphore_mem>>)
      %add3A_280 = arith.constant 3 : i32
      %add3A_281 = arith.addi %mul3A_137, %add3A_280 : i32
      %add3A_282 = arith.constant 2 : i32
      %add3A_283 = arith.addi %add3A_281, %add3A_282 : i32
      %lt3A_284 = arith.constant 128 : i32
      %lt3A_285 = arith.cmpi slt, %add3A_283, %lt3A_284 : i32
      %convert_element_type3A_286 = arith.extui %lt3A_285 : i1 to i32
      %cond3A_287 = arith.constant 0 : i32
      %cond3A_288 = arith.cmpi ne, %convert_element_type3A_286, %cond3A_287 : i32
      scf.if %cond3A_288 {
        %ge3A_329 = arith.constant 2 : i32
        %ge3A_330 = arith.cmpi sge, %add3A_281, %ge3A_329 : i32
        %convert_element_type3A_331 = arith.extui %ge3A_330 : i1 to i32
        %cond3A_332 = arith.constant 0 : i32
        %cond3A_333 = arith.cmpi ne, %convert_element_type3A_331, %cond3A_332 : i32
        scf.if %cond3A_333 {
          %dma_wait3A_366 = arith.constant 0 : i32
          %dma_wait3A_367 = arith.constant 0 : i32
          %dma_wait3A_368 = tpu.memref_slice %arg7[%select_n3A, %dma_wait3A_366, %select_n3A_30, %dma_wait3A_367] : memref<8x2048x4x768xf32, #tpu.memory_space<hbm>> -> memref<1x32x1x768xf32, #tpu.memory_space<hbm>>
          %dma_wait3A_369 = tpu.memref_squeeze %dma_wait3A_368 : memref<1x32x1x768xf32, #tpu.memory_space<hbm>> -> memref<32x768xf32, #tpu.memory_space<hbm>>
          %dma_wait3A_370 = arith.constant 0 : i32
          %dma_wait3A_371 = arith.constant 0 : i32
          %dma_wait3A_372 = tpu.memref_slice %arg7[%select_n3A, %dma_wait3A_370, %select_n3A_30, %dma_wait3A_371] : memref<8x2048x4x768xf32, #tpu.memory_space<hbm>> -> memref<1x32x1x768xf32, #tpu.memory_space<hbm>>
          %dma_wait3A_373 = tpu.memref_squeeze %dma_wait3A_372 : memref<1x32x1x768xf32, #tpu.memory_space<hbm>> -> memref<32x768xf32, #tpu.memory_space<hbm>>
          tpu.wait_dma2 semaphore(%arg22 : memref<!tpu.dma_semaphore, #tpu.memory_space<semaphore_mem>>) src(%arg14 : memref<32x768xf32, #tpu.memory_space<vmem>>) dst(%dma_wait3A_373 : memref<32x768xf32, #tpu.memory_space<hbm>>)
        } else {
        }
        %add3A_334 = arith.constant 2 : i32
        %add3A_335 = arith.addi %add3A_281, %add3A_334 : i32
        %jit3A_336 = arith.constant 2 : i32
        %div3A_337 = arith.divsi %add3A_335, %jit3A_336 : i32
        %sign3A_338 = arith.constant 0 : i32
        %sign3A_339 = arith.cmpi sgt, %add3A_335, %sign3A_338 : i32
        %sign3A_340 = arith.extui %sign3A_339 : i1 to i32
        %sign3A_341 = arith.constant 0 : i32
        %sign3A_342 = arith.cmpi slt, %add3A_335, %sign3A_341 : i32
        %sign3A_343 = arith.extui %sign3A_342 : i1 to i32
        %sign3A_344 = arith.subi %sign3A_340, %sign3A_343 : i32
        %sign3A_345 = arith.constant 0 : i32
        %sign3A_346 = arith.cmpi sgt, %jit3A_336, %sign3A_345 : i32
        %sign3A_347 = arith.extui %sign3A_346 : i1 to i32
        %sign3A_348 = arith.constant 0 : i32
        %sign3A_349 = arith.cmpi slt, %jit3A_336, %sign3A_348 : i32
        %sign3A_350 = arith.extui %sign3A_349 : i1 to i32
        %sign3A_351 = arith.subi %sign3A_347, %sign3A_350 : i32
        %ne3A_352 = arith.cmpi ne, %sign3A_344, %sign3A_351 : i32
        %rem3A_353 = arith.remsi %add3A_335, %jit3A_336 : i32
        %ne3A_354 = arith.constant 0 : i32
        %ne3A_355 = arith.cmpi ne, %rem3A_353, %ne3A_354 : i32
        %and3A_356 = arith.andi %ne3A_352, %ne3A_355 : i1
        %sub3A_357 = arith.constant 1 : i32
        %sub3A_358 = arith.subi %div3A_337, %sub3A_357 : i32
        %select_n3A_359 = arith.select %and3A_356, %sub3A_358, %div3A_337 : i32
        %dma_start3A_360 = arith.constant 0 : i32
        %dma_start3A_361 = tpu.memref_slice %arg11[%select_n3A_359, %dma_start3A_360] : memref<64x32xi32, #tpu.memory_space<vmem>> -> memref<1x32xi32, #tpu.memory_space<vmem>>
        %dma_start3A_362 = tpu.memref_squeeze %dma_start3A_361 : memref<1x32xi32, #tpu.memory_space<vmem>> -> memref<32xi32, #tpu.memory_space<vmem>>
        %dma_start3A_363 = arith.constant 0 : i32
        %dma_start3A_364 = arith.constant 0 : i32
        %dma_start3A_365 = tpu.memref_slice %arg5[%dma_start3A_363, %dma_start3A_364] : memref<4096x768xf32, #tpu.memory_space<hbm>> -> memref<4096x768xf32, #tpu.memory_space<hbm>>
        tpu.enqueue_indirect_dma source(%dma_start3A_365 : memref<4096x768xf32, #tpu.memory_space<hbm>>) target(%arg14 : memref<32x768xf32, #tpu.memory_space<vmem>>) offsets(%dma_start3A_362 : memref<32xi32, #tpu.memory_space<vmem>>) semaphore(%arg18 : memref<!tpu.dma_semaphore, #tpu.memory_space<semaphore_mem>>)
      } else {
      }
      %dma_wait3A_289 = arith.constant 0 : i32
      %dma_wait3A_290 = arith.constant 0 : i32
      %dma_wait3A_291 = tpu.memref_slice %arg11[%dma_wait3A_289, %dma_wait3A_290] : memref<64x32xi32, #tpu.memory_space<vmem>> -> memref<1x32xi32, #tpu.memory_space<vmem>>
      %dma_wait3A_292 = tpu.memref_squeeze %dma_wait3A_291 : memref<1x32xi32, #tpu.memory_space<vmem>> -> memref<32xi32, #tpu.memory_space<vmem>>
      %dma_wait3A_293 = arith.constant 0 : i32
      %dma_wait3A_294 = arith.constant 0 : i32
      %dma_wait3A_295 = tpu.memref_slice %arg4[%dma_wait3A_293, %dma_wait3A_294] : memref<4096x768xf32, #tpu.memory_space<hbm>> -> memref<4096x768xf32, #tpu.memory_space<hbm>>
      tpu.wait_indirect_dma semaphore(%arg20 : memref<!tpu.dma_semaphore, #tpu.memory_space<semaphore_mem>>) src(%dma_wait3A_295 : memref<4096x768xf32, #tpu.memory_space<hbm>>) dst(%arg16 : memref<32x768xf32, #tpu.memory_space<vmem>>)
      %jit3A_296 = arith.constant 2 : i32
      %div3A_297 = arith.divsi %add3A_281, %jit3A_296 : i32
      %sign3A_298 = arith.constant 0 : i32
      %sign3A_299 = arith.cmpi sgt, %add3A_281, %sign3A_298 : i32
      %sign3A_300 = arith.extui %sign3A_299 : i1 to i32
      %sign3A_301 = arith.constant 0 : i32
      %sign3A_302 = arith.cmpi slt, %add3A_281, %sign3A_301 : i32
      %sign3A_303 = arith.extui %sign3A_302 : i1 to i32
      %sign3A_304 = arith.subi %sign3A_300, %sign3A_303 : i32
      %sign3A_305 = arith.constant 0 : i32
      %sign3A_306 = arith.cmpi sgt, %jit3A_296, %sign3A_305 : i32
      %sign3A_307 = arith.extui %sign3A_306 : i1 to i32
      %sign3A_308 = arith.constant 0 : i32
      %sign3A_309 = arith.cmpi slt, %jit3A_296, %sign3A_308 : i32
      %sign3A_310 = arith.extui %sign3A_309 : i1 to i32
      %sign3A_311 = arith.subi %sign3A_307, %sign3A_310 : i32
      %ne3A_312 = arith.cmpi ne, %sign3A_304, %sign3A_311 : i32
      %rem3A_313 = arith.remsi %add3A_281, %jit3A_296 : i32
      %ne3A_314 = arith.constant 0 : i32
      %ne3A_315 = arith.cmpi ne, %rem3A_313, %ne3A_314 : i32
      %and3A_316 = arith.andi %ne3A_312, %ne3A_315 : i1
      %sub3A_317 = arith.constant 1 : i32
      %sub3A_318 = arith.subi %div3A_297, %sub3A_317 : i32
      %select_n3A_319 = arith.select %and3A_316, %sub3A_318, %div3A_297 : i32
      %mul3A_320 = arith.constant 32 : i32
      %mul3A_321 = arith.muli %select_n3A_319, %mul3A_320 : i32
      %dma_start3A_322 = arith.constant 0 : i32
      %dma_start3A_323 = tpu.memref_slice %arg7[%select_n3A, %mul3A_321, %select_n3A_30, %dma_start3A_322] : memref<8x2048x4x768xf32, #tpu.memory_space<hbm>> -> memref<1x32x1x768xf32, #tpu.memory_space<hbm>>
      %dma_start3A_324 = tpu.memref_squeeze %dma_start3A_323 : memref<1x32x1x768xf32, #tpu.memory_space<hbm>> -> memref<32x768xf32, #tpu.memory_space<hbm>>
      %dma_start3A_325 = arith.constant 0 : i32
      %dma_start3A_326 = tpu.memref_slice %arg7[%select_n3A, %mul3A_321, %select_n3A_30, %dma_start3A_325] : memref<8x2048x4x768xf32, #tpu.memory_space<hbm>> -> memref<1x32x1x768xf32, #tpu.memory_space<hbm>>
      %dma_start3A_327 = tpu.memref_squeeze %dma_start3A_326 : memref<1x32x1x768xf32, #tpu.memory_space<hbm>> -> memref<32x768xf32, #tpu.memory_space<hbm>>
      tpu.enqueue_dma source(%arg16 : memref<32x768xf32, #tpu.memory_space<vmem>>) target(%dma_start3A_327 : memref<32x768xf32, #tpu.memory_space<hbm>>) target_semaphore(%arg24 : memref<!tpu.dma_semaphore, #tpu.memory_space<semaphore_mem>>)
      %scan3A_328 = arith.constant 0 : i32
      scf.yield %scan3A_328 : i32
    }
    %scan3A_102 = arith.constant 32 : i32
    %dma_wait3A = arith.constant 0 : i32
    %dma_wait3A_103 = arith.constant 0 : i32
    %dma_wait3A_104 = tpu.memref_slice %arg6[%select_n3A, %dma_wait3A, %select_n3A_30, %dma_wait3A_103] : memref<8x2048x4x768xf32, #tpu.memory_space<hbm>> -> memref<1x32x1x768xf32, #tpu.memory_space<hbm>>
    %dma_wait3A_105 = tpu.memref_squeeze %dma_wait3A_104 : memref<1x32x1x768xf32, #tpu.memory_space<hbm>> -> memref<32x768xf32, #tpu.memory_space<hbm>>
    %dma_wait3A_106 = arith.constant 0 : i32
    %dma_wait3A_107 = arith.constant 0 : i32
    %dma_wait3A_108 = tpu.memref_slice %arg6[%select_n3A, %dma_wait3A_106, %select_n3A_30, %dma_wait3A_107] : memref<8x2048x4x768xf32, #tpu.memory_space<hbm>> -> memref<1x32x1x768xf32, #tpu.memory_space<hbm>>
    %dma_wait3A_109 = tpu.memref_squeeze %dma_wait3A_108 : memref<1x32x1x768xf32, #tpu.memory_space<hbm>> -> memref<32x768xf32, #tpu.memory_space<hbm>>
    tpu.wait_dma2 semaphore(%arg21 : memref<!tpu.dma_semaphore, #tpu.memory_space<semaphore_mem>>) src(%arg13 : memref<32x768xf32, #tpu.memory_space<vmem>>) dst(%dma_wait3A_109 : memref<32x768xf32, #tpu.memory_space<hbm>>)
    %dma_wait3A_110 = arith.constant 0 : i32
    %dma_wait3A_111 = arith.constant 0 : i32
    %dma_wait3A_112 = tpu.memref_slice %arg7[%select_n3A, %dma_wait3A_110, %select_n3A_30, %dma_wait3A_111] : memref<8x2048x4x768xf32, #tpu.memory_space<hbm>> -> memref<1x32x1x768xf32, #tpu.memory_space<hbm>>
    %dma_wait3A_113 = tpu.memref_squeeze %dma_wait3A_112 : memref<1x32x1x768xf32, #tpu.memory_space<hbm>> -> memref<32x768xf32, #tpu.memory_space<hbm>>
    %dma_wait3A_114 = arith.constant 0 : i32
    %dma_wait3A_115 = arith.constant 0 : i32
    %dma_wait3A_116 = tpu.memref_slice %arg7[%select_n3A, %dma_wait3A_114, %select_n3A_30, %dma_wait3A_115] : memref<8x2048x4x768xf32, #tpu.memory_space<hbm>> -> memref<1x32x1x768xf32, #tpu.memory_space<hbm>>
    %dma_wait3A_117 = tpu.memref_squeeze %dma_wait3A_116 : memref<1x32x1x768xf32, #tpu.memory_space<hbm>> -> memref<32x768xf32, #tpu.memory_space<hbm>>
    tpu.wait_dma2 semaphore(%arg22 : memref<!tpu.dma_semaphore, #tpu.memory_space<semaphore_mem>>) src(%arg14 : memref<32x768xf32, #tpu.memory_space<vmem>>) dst(%dma_wait3A_117 : memref<32x768xf32, #tpu.memory_space<hbm>>)
    %dma_wait3A_118 = arith.constant 0 : i32
    %dma_wait3A_119 = arith.constant 0 : i32
    %dma_wait3A_120 = tpu.memref_slice %arg6[%select_n3A, %dma_wait3A_118, %select_n3A_30, %dma_wait3A_119] : memref<8x2048x4x768xf32, #tpu.memory_space<hbm>> -> memref<1x32x1x768xf32, #tpu.memory_space<hbm>>
    %dma_wait3A_121 = tpu.memref_squeeze %dma_wait3A_120 : memref<1x32x1x768xf32, #tpu.memory_space<hbm>> -> memref<32x768xf32, #tpu.memory_space<hbm>>
    %dma_wait3A_122 = arith.constant 0 : i32
    %dma_wait3A_123 = arith.constant 0 : i32
    %dma_wait3A_124 = tpu.memref_slice %arg6[%select_n3A, %dma_wait3A_122, %select_n3A_30, %dma_wait3A_123] : memref<8x2048x4x768xf32, #tpu.memory_space<hbm>> -> memref<1x32x1x768xf32, #tpu.memory_space<hbm>>
    %dma_wait3A_125 = tpu.memref_squeeze %dma_wait3A_124 : memref<1x32x1x768xf32, #tpu.memory_space<hbm>> -> memref<32x768xf32, #tpu.memory_space<hbm>>
    tpu.wait_dma2 semaphore(%arg23 : memref<!tpu.dma_semaphore, #tpu.memory_space<semaphore_mem>>) src(%arg15 : memref<32x768xf32, #tpu.memory_space<vmem>>) dst(%dma_wait3A_125 : memref<32x768xf32, #tpu.memory_space<hbm>>)
    %dma_wait3A_126 = arith.constant 0 : i32
    %dma_wait3A_127 = arith.constant 0 : i32
    %dma_wait3A_128 = tpu.memref_slice %arg7[%select_n3A, %dma_wait3A_126, %select_n3A_30, %dma_wait3A_127] : memref<8x2048x4x768xf32, #tpu.memory_space<hbm>> -> memref<1x32x1x768xf32, #tpu.memory_space<hbm>>
    %dma_wait3A_129 = tpu.memref_squeeze %dma_wait3A_128 : memref<1x32x1x768xf32, #tpu.memory_space<hbm>> -> memref<32x768xf32, #tpu.memory_space<hbm>>
    %dma_wait3A_130 = arith.constant 0 : i32
    %dma_wait3A_131 = arith.constant 0 : i32
    %dma_wait3A_132 = tpu.memref_slice %arg7[%select_n3A, %dma_wait3A_130, %select_n3A_30, %dma_wait3A_131] : memref<8x2048x4x768xf32, #tpu.memory_space<hbm>> -> memref<1x32x1x768xf32, #tpu.memory_space<hbm>>
    %dma_wait3A_133 = tpu.memref_squeeze %dma_wait3A_132 : memref<1x32x1x768xf32, #tpu.memory_space<hbm>> -> memref<32x768xf32, #tpu.memory_space<hbm>>
    tpu.wait_dma2 semaphore(%arg24 : memref<!tpu.dma_semaphore, #tpu.memory_space<semaphore_mem>>) src(%arg16 : memref<32x768xf32, #tpu.memory_space<vmem>>) dst(%dma_wait3A_133 : memref<32x768xf32, #tpu.memory_space<hbm>>)
    return
  }
}

</mosaic_0001>

<sc_bundles>
// kernel: _run.3.cloned.1.call-start
scs
__scs_entry_jumppad:
0x0: {  	(pc) =	sbr.rel $0x88, $3  }
0x1: {  	(tag) =	ssettag $0x0;
	lr =	simm.s32 $0x1  }
0x2: {  	[smem:$0x3F9D] =	sst lr;
	_ =	strace $0xD0000000  }
0x3: {  	_ = 	snop  }
0x4: {  	_ = 	snop  }
0x5: {  	_ = 	snop  }
0x6: {  	_ = 	snop  }
0x7: {  	_ = 	snop  }
__scs_overlays_trampoline_lowered:
0x8: {  	[smem:$0x3FAC] =	sst s0  }
0x9: {  	[smem:$0x3FAD] =	sst s1  }
0xa: {  	[smem:$0x3FAE] =	sst s2  }
0xb: {  	[smem:$0x3FAF] =	sst s3  }
0xc: {  	[smem:$0x3FB0] =	sst s4  }
0xd: {  	[smem:$0x3FB1] =	sst s5  }
0xe: {  	[smem:$0x3FB2] =	sst s6  }
0xf: {  	[smem:$0x3FB3] =	sst s7  }
0x10: {  	[smem:$0x3FB4] =	sst s8  }
0x11: {  	[smem:$0x3FB5] =	sst s9;
	s0 =	simm.s32 @!p0 $0x0  }
0x12: {  	s1 =	sld [smem:$0x3F9B];
	s0 =	simm.s32 @p0 $0x1  }
0x13: {  	[smem:$0x3FB6] =	sst s0;
	s0 =	simm.s32 @!p1 $0x0  }
0x14: {  	s2 =	sld [smem:$0x3F9A];
	s0 =	simm.s32 @p1 $0x1  }
0x15: {  	[smem:$0x3FB7] =	sst s0;
	s0 =	simm.s32 @!p2 $0x0  }
0x16: {  	s3 =	sld [smem:$0x3FDB];
	s0 =	simm.s32 @p2 $0x1  }
0x17: {  	s4 =	simm.s32 $0x1BF5;
	[smem:$0x3FB9] =	sst s0  }
0x18: {  	s0 =	sld [smem:$0x3F9C];
	_ =	swait.ge [sflag:s4], $0x0  }
0x19: {  	s7 =	sld [smem:$0x3F9D]  }
0x1a: {  	s8 =	sadd.s32 $0xFFFFE003, lr  }
0x1b: {  	s9 =	sadd.s32 $0xFFFFFEF7, lr;
	s5 =	simm.s32 $0xFFFFFFFF;
	p2 =	slt.u32 s8, $0xFFFFF086  }
0x1c: {  	p1 =	slt.u32 s9, $0xF7A;
	s5 =	simm.s32 @!p2 $0x0  }
0x1d: {  	s5 =	simm.s32 @p1 $0x1;
	p0 =	seq.s32 s7, s2  }
0x1e: {  	s7 =	smul.u32 @!p0 $0xF7A, s2;
	p2 =	seq.s32 @!p0 s5, $0x0  }
0x1f: {  	s9 =	smul.u32 $0xF7A, s1;
	s8 =	simm.s32 @!p0 $0x1BF5;
	p2 =	por !p2, p0  }
0x20: {  	[sflag:s8] =	ssyncset.s32 @!p0 $0xFFFFF086;
	s6 =	sadd.s32 @!p0 s3, s7;
	s7 =	simm.s32 @!p0 $0x108  }
0x21: {  	s3 =	sadd.s32 s3, s9;
	s6 =	sadd.s32 @!p0 $0x88, s6;
	s7 =	simm.s32 @p2 $0x1082  }
0x22: {  	[simem:s7], [sflag:s8] =	dma.local @!p0 [hbm:s6], $0xF7A  }
0x23: {  	s9 =	sor.u32 $0xD0000000, s2;
	s6 =	simm.s32 $0x108;
	_ =	swait.ge @!p0 [sflag:s8], $0x0  }
0x24: {  	s3 =	sadd.s32 $0x88, s3;
	s6 =	simm.s32 @!p1 $0x1082;
	[sflag:s4] =	ssyncset.s32 $0xFFFFF086  }
0x25: {  	[simem:s6], [sflag:s4] =	dma.local [hbm:s3], $0xF7A  }
0x26: {  	[smem:$0x3F9D] =	sst s1;
	(tag) =	ssettag s2;
	_ =	strace s9  }
0x27: {  	s1 =	sld [smem:$0x3FAD]  }
0x28: {  	s2 =	sld [smem:$0x3FAE]  }
0x29: {  	s4 =	sld [smem:$0x3FB0]  }
0x2a: {  	p0 =	seq.s32 s5, $0x0;
	s5 =	sld [smem:$0x3FB1]  }
0x2b: {  	s6 =	sld [smem:$0x3FB2]  }
0x2c: {  	s7 =	sld [smem:$0x3FB3]  }
0x2d: {  	s3 =	simm.s32 $0x108;
	s8 =	sld [smem:$0x3FB4]  }
0x2e: {  	s3 =	simm.s32 @!p0 $0x1082;
	s9 =	sld [smem:$0x3FB5]  }
0x2f: {  	lr =	sadd.s32 s0, s3;
	s0 =	sld [smem:$0x3FAC]  }
0x30: {  	s3 =	sld [smem:$0x3FAF]  }
0x31: {  	[smem:$0x3FB8] =	sst s10  }
0x32: {  	s10 =	sld [smem:$0x3FB6];
	_ =	sdelay $0x3  }
0x33: {  	p0 =	seq.s32 s10, $0x1;
	s10 =	sld [smem:$0x3FB8];
	_ =	sdelay $0x3  }
0x34: {  	[smem:$0x3FB8] =	sst s10  }
0x35: {  	s10 =	sld [smem:$0x3FB7];
	_ =	sdelay $0x3  }
0x36: {  	p1 =	seq.s32 s10, $0x1;
	s10 =	sld [smem:$0x3FB8];
	_ =	sdelay $0x3  }
0x37: {  	[smem:$0x3FB8] =	sst s10  }
0x38: {  	s10 =	sld [smem:$0x3FB9]  }
0x39: {  	_ = 	snop;
	(pc) =	sbr.ind lr, $3  }
0x3a: {  	_ = 	snop  }
0x3b: {  	_ = 	snop  }
0x3c: {  	p2 =	seq.s32 s10, $0x1;
	s10 =	sld [smem:$0x3FB8]  }
0x3d: {  	_ =	shalt  }
0x3e: {  	_ =	shalt  }
0x3f: {  	_ =	shalt  }
0x40: {  	_ =	shalt  }
0x41: {  	_ =	shalt  }
0x42: {  	_ =	shalt  }
0x43: {  	_ =	shalt  }
0x44: {  	_ =	shalt  }
0x45: {  	_ =	shalt  }
0x46: {  	_ =	shalt  }
0x47: {  	_ =	shalt  }
0x48: {  	_ =	shalt  }
0x49: {  	_ =	shalt  }
0x4a: {  	_ =	shalt  }
0x4b: {  	_ =	shalt  }
0x4c: {  	_ =	shalt  }
0x4d: {  	_ =	shalt  }
0x4e: {  	_ =	shalt  }
0x4f: {  	_ =	shalt  }
0x50: {  	_ =	shalt  }
0x51: {  	_ =	shalt  }
0x52: {  	_ =	shalt  }
0x53: {  	_ =	shalt  }
0x54: {  	_ =	shalt  }
0x55: {  	_ =	shalt  }
0x56: {  	_ =	shalt  }
0x57: {  	_ =	shalt  }
0x58: {  	_ =	shalt  }
0x59: {  	_ =	shalt  }
0x5a: {  	_ =	shalt  }
0x5b: {  	_ =	shalt  }
0x5c: {  	_ =	shalt  }
0x5d: {  	_ =	shalt  }
0x5e: {  	_ =	shalt  }
0x5f: {  	_ =	shalt  }
0x60: {  	_ =	shalt  }
0x61: {  	_ =	shalt  }
0x62: {  	_ =	shalt  }
0x63: {  	_ =	shalt  }
0x64: {  	_ =	shalt  }
0x65: {  	_ =	shalt  }
0x66: {  	_ =	shalt  }
0x67: {  	_ =	shalt  }
0x68: {  	_ =	shalt  }
0x69: {  	_ =	shalt  }
0x6a: {  	_ =	shalt  }
0x6b: {  	_ =	shalt  }
0x6c: {  	_ =	shalt  }
0x6d: {  	_ =	shalt  }
0x6e: {  	_ =	shalt  }
0x6f: {  	_ =	shalt  }
0x70: {  	_ =	shalt  }
0x71: {  	_ =	shalt  }
0x72: {  	_ =	shalt  }
0x73: {  	_ =	shalt  }
0x74: {  	_ =	shalt  }
0x75: {  	_ =	shalt  }
0x76: {  	_ =	shalt  }
0x77: {  	_ =	shalt  }
0x78: {  	_ =	shalt  }
0x79: {  	_ =	shalt  }
0x7a: {  	_ =	shalt  }
0x7b: {  	_ =	shalt  }
0x7c: {  	_ =	shalt  }
0x7d: {  	_ =	shalt  }
0x7e: {  	_ =	shalt  }
0x7f: {  	_ =	shalt  }
0x80: {  	_ =	shalt  }
0x81: {  	_ =	shalt  }
0x82: {  	_ =	shalt  }
0x83: {  	_ =	shalt  }
0x84: {  	_ =	shalt  }
0x85: {  	_ =	shalt  }
0x86: {  	_ =	shalt  }
0x87: {  	_ =	shalt  }
.Lfunc_end0:
.L_simem_size_0:
called_computation_lowered:
.L_overlay_start_0:
0x88: {  	s2 =	sld [smem:$0x3FD9]  }
0x89: {  	s3 =	sld [smem:$0x3FFE];
	_ =	sdelay $0x1  }
0x8a: {  	s1 =	srdreg.scid  }
0x8b: {  	s0 =	sand.u32 $0x1, s1  }
0x8c: {  	s15 =	sshll.u32 s0, $0xA;
	s2 =	sadd.s32 s3, s2  }
0x8d: {  	s2 =	sadd.s32 s2, s15  }
0x8e: {  	[smem:$0x3FC4] =	sst s2  }
0x8f: {  	_ = 	snop  }
0x90: {  	s2 =	sld [smem:$0x3FC9]  }
0x91: {  	s16 =	sld [smem:$0x3FD0]  }
0x92: {  	s4 =	sld [smem:$0x3FC8]  }
0x93: {  	s5 =	sld [smem:$0x3FC7]  }
0x94: {  	s7 =	simm.s32 $0xA;
	s8 =	simm.s32 $0x10;
	s6 =	sld [smem:$0x3FC6]  }
0x95: {  	[smem:s8], [sflag:s7] =	dma.local [hbm:s16], $0x1  }
0x96: {  	_ =	swait.eq [sflag:s7], $0x1  }
0x97: {  	[sflag:s7] =	ssyncset.done $0x0  }
0x98: {  	s17 =	sld [smem:$0x10];
	[sflag:s7] =	ssyncadd.s32 $0xFFFFFFFF  }
0x99: {  	s18 =	sld [smem:$0x11];
	(tm) =	ssettm $0x1  }
0x9a: {  	s19 =	sld [smem:$0x3FFB];
	_ =	sdelay $0x3  }
0x9b: {  	_ =	strace s19  }
0x9c: {  	s8 =	sld [smem:$0x3FFC];
	_ =	sdelay $0x3  }
0x9d: {  	_ =	strace s8  }
0x9e: {  	s8 =	sld [smem:$0x3FFD];
	_ =	sdelay $0x3  }
0x9f: {  	_ =	strace s8  }
0xa0: {  	_ =	strace $0x8FFFFFFF  }
0xa1: {  	s20 =	sld [smem:$0x3FDB];
	_ =	sdelay $0x1  }
0xa2: {  	s9 =	simm.s32 $_scs_section_size  }
0xa3: {  	s10 =	simm.s32 $_size__tile_overlayer_lowered;
	s11 =	simm.s32 $_tile_overlayer_lowered  }
0xa4: {  	s23 =	simm.s32 $0x1BFF;
	s22 =	sshll.u32 s11, $0x1;
	s8 =	sadd.s32 s9, s20  }
0xa5: {  	s12 =	simm.s32 $0x0;
	s21 =	sshll.u32 s10, $0x1;
	s10 =	sadd.s32 s22, s8  }
0xa6: {  	[timem:s12], [sflag:s23] =	dma.local [hbm:s10], s21  }
0xa7: {  	_ =	swait.ge [sflag:s23], s21  }
0xa8: {  	s9 =	ssub.s32 $0x0, s21;
	[sflag:s23] =	ssyncset.done $0x0  }
0xa9: {  	[sflag:s23] =	ssyncadd.s32 s9;
	_ =	sdelay $0x1  }
0xaa: {  	s24 =	simm.s32 $0x1B8B  }
0xab: {  	_ =	swait.ge [sflag:s24], $0x1  }
0xac: {  	[sflag:s24] =	ssyncset.done $0x0  }
0xad: {  	s25 =	simm.s32 $0x1B8E;
	[sflag:s24] =	ssyncadd.s32 $0xFFFFFFFF  }
0xae: {  	s26 =	simm.s32 $execute0_lowered;
	[smem:$0x3FD2] =	sst s25  }
0xaf: {  	s9 =	sshll.u32 s26, $0x1;
	_ =	strace $0x80000046;
	[dreg:$0x1] =	wrdreg $0xFFFFFFFF  }
0xb0: {  	s28 =	simm.s32 $_size_execute0_lowered;
	s8 =	sadd.s32 s8, s9;
	[dreg:$0x0] =	wrdreg $0x0  }
0xb1: {  	s9 =	sshll.u32 s28, $0x1;
	[dreg:$0x2] =	wrdreg s8  }
0xb2: {  	[dreg:$0x3] =	wrdreg s9  }
0xb3: {  	[dreg:$0x4] =	wrdreg $0xC0  }
0xb4: {  	_ =	task [dreg:s12], $0x5FFFF  }
0xb5: {  	[dreg:$0x1] =	wrdreg $0xFFFFFFFF  }
0xb6: {  	[dreg:$0x0] =	wrdreg $0x60  }
0xb7: {  	[dreg:$0x2] =	wrdreg s2  }
0xb8: {  	[dreg:$0x3] =	wrdreg s4  }
0xb9: {  	[dreg:$0x4] =	wrdreg s5  }
0xba: {  	[dreg:$0x5] =	wrdreg s6  }
0xbb: {  	[dreg:$0x6] =	wrdreg s17  }
0xbc: {  	[dreg:$0x7] =	wrdreg s18  }
0xbd: {  	[dreg:$0x8] =	wrdreg $0x9  }
0xbe: {  	_ =	task.clear_ibuf [dreg:s12], $0x9FFFF;
	_ =	strace $0x90000046  }
0xbf: {  	s29 =	simm.s32 $0x9;
	_ =	strace $0x80000048  }
0xc0: {  	_ =	swait.ge [sflag:s29], $0x1  }
0xc1: {  	[sflag:s29] =	ssyncadd.s32 $0xFFFFFFFF  }
0xc2: {  	_ =	strace $0x90000048  }
0xc3: {  	_ =	sfence  }
0xc4: {  	s30 =	sld [smem:$0x0];
	_ =	sdelay $0x2  }
0xc5: {  	s31 =	sshll.u32 s1, $0xD;
	s1 =	sshrl.u32 s1, $0x2  }
0xc6: {  	s3 =	sand.u32 $0x4000, s31;
	s1 =	sadd.s32 s1, s30  }
0xc7: {  	s0 =	sor.u32 s3, s0;
	s1 =	sshll.u32 s1, $0x11  }
0xc8: {  	s0 =	sor.u32 s1, s0  }
0xc9: {  	s0 =	sadd.s32 $0x8F2B, s0  }
0xca: {  	[sflag:s0] =	ssyncadd.remote.s32 $0x1  }
0xcb: {  	_ =	sfence.sel $0xFFFF  }
0xcc: {  	[dreg:$0x0] =	wrdreg $0xFFFFFFFF;
	(pc) =	sbr.abs _section_cstart, $3  }
0xcd: {  	[dreg:$0x1] =	wrdreg $0xFFFFFFFF  }
0xce: {  	_ =	task.clear_ibuf [dreg:s12], $0x2FFFF;
	_ =	strace $0x9FFFFFFF  }
0xcf: {  	(tm) =	ssettm $0x7FFFFFFF  }
tec
execute0_lowered:
.L_overlay_start_1:
0x0: {  	(tag) =	ssettag $0x1  }
0x1: {  	s0 =	rddreg [dreg:$0x0];
	s12 =	stileid.u32  }
0x2: {  	s2 =	rddreg [dreg:$0x2];
	s4 =	sshrl.u32 s12, $0x1  }
0x3: {  	s3 =	rddreg [dreg:$0x3];
	s6 =	sand.u32 $0x1, s12;
	s5 =	smul.u32 $0x600000, s4  }
0x4: {  	s7 =	rddreg [dreg:$0x4];
	s6 =	sshll.u32 s6, $0x8  }
0x5: {  	s8 =	rddreg [dreg:$0x5];
	s6 =	sor.u32 s6, s5;
	s5 =	simm.s32 $0x0  }
0x6: {  	s18 =	simm.s32 $0x3500;
	[smem:$0x7FF] =	sst s5  }
0x7: {  	s19 =	simm.s32 $0x3D00;
	_ =	strace $0x80000047;
	[dreg:$0xb] =	wrdreg s18  }
0x8: {  	s20 =	simm.s32 $0x4500;
	[dreg:$0xc] =	wrdreg s19  }
0x9: {  	s21 =	simm.s32 $0x4D00;
	[dreg:$0xd] =	wrdreg s20  }
0xa: {  	s22 =	simm.s32 $0x5500;
	[dreg:$0xe] =	wrdreg s21  }
0xb: {  	s23 =	simm.s32 $0x5D00;
	[dreg:$0xf] =	wrdreg s22  }
0xc: {  	s24 =	simm.s32 $0x6500;
	[dreg:$0x10] =	wrdreg s23  }
0xd: {  	s25 =	simm.s32 $0x6D00;
	[dreg:$0x11] =	wrdreg s24  }
0xe: {  	s26 =	simm.s32 $0x7500;
	[dreg:$0x12] =	wrdreg s25  }
0xf: {  	s30 =	simm.s32 $0x7D00;
	[dreg:$0x13] =	wrdreg s26  }
0x10: {  	s31 =	simm.s32 $0x8500;
	[dreg:$0x14] =	wrdreg s30  }
0x11: {  	s11 =	simm.s32 $0xAD00;
	[dreg:$0x15] =	wrdreg s31  }
0x12: {  	s13 =	simm.s32 $0xB500;
	[dreg:$0x1a] =	wrdreg s11  }
0x13: {  	s14 =	simm.s32 $0xBD00;
	[dreg:$0x1b] =	wrdreg s13  }
0x14: {  	s15 =	simm.s32 $0xC500;
	[dreg:$0x1c] =	wrdreg s14  }
0x15: {  	s16 =	simm.s32 $0xCD00;
	s4 =	sshll.u32 s4, $0x4;
	[dreg:$0x1d] =	wrdreg s15  }
0x16: {  	s0 =	sadd.s32 s0, s4;
	[dreg:$0x1e] =	wrdreg s16  }
0x17: {  	s18 =	simm.s32 $0xDD00;
	[smem:$0x7EA] =	sst s0  }
0x18: {  	s19 =	simm.s32 $0xE500;
	[smem:$0x7E1] =	sst s18  }
0x19: {  	s20 =	simm.s32 $0xED00;
	[smem:$0x7E2] =	sst s19  }
0x1a: {  	s22 =	simm.s32 $0xF500;
	[smem:$0x7E3] =	sst s20  }
0x1b: {  	s1 =	srdreg.scid;
	s24 =	simm.s32 $0xFD00;
	[smem:$0x7E4] =	sst s22  }
0x1c: {  	s28 =	simm.s32 $0x13900;
	s25 =	simm.s32 $0x10500;
	[smem:$0x7E5] =	sst s24  }
0x1d: {  	s29 =	simm.s32 $0x15100;
	s30 =	simm.s32 $0x10D00;
	[smem:$0x7E6] =	sst s25  }
0x1e: {  	s1 =	sand.u32 $0x1, s1;
	s31 =	simm.s32 $0x11500;
	[smem:$0x7E7] =	sst s30  }
0x1f: {  	s26 =	sshll.u32 s12, $0x1;
	s12 =	simm.s32 $0x13500;
	[smem:$0x7E8] =	sst s31  }
0x20: {  	s9 =	sshll.u32 s1, $0x7;
	s13 =	simm.s32 $0x13D00;
	[smem:$0x7ED] =	sst s12  }
0x21: {  	s6 =	sor.u32 s9, s6;
	s14 =	simm.s32 $0x14500;
	[smem:$0x7EE] =	sst s13  }
0x22: {  	s9 =	sshrl.u32 s6, $0x3;
	s15 =	simm.s32 $0x14D00;
	[smem:$0x7EF] =	sst s14  }
0x23: {  	s4 =	simm.s32 $0x0;
	s10 =	sadd.s32 s9, s7;
	[smem:$0x7F1] =	sst s15  }
0x24: {  	s6 =	sor.u32 $0x18000, s6;
	s18 =	simm.s32 $0x15D00;
	[dreg:$0x7] =	wrdreg s10  }
0x25: {  	s21 =	ssub.s32 $0x2, s1;
	s19 =	simm.s32 $0x16500;
	[smem:$0x7F3] =	sst s18  }
0x26: {  	s6 =	sshrl.u32 s6, $0x3;
	s20 =	simm.s32 $0x16D00;
	[smem:$0x7F4] =	sst s19  }
0x27: {  	s23 =	sshrl.u32 s21, $0x1;
	s22 =	simm.s32 $0x17D00;
	[smem:$0x7F5] =	sst s20  }
0x28: {  	s12 =	simm.s32 $0x80;
	s24 =	simm.s32 $0x18D00;
	[smem:$0x7F7] =	sst s22  }
0x29: {  	s15 =	simm.s32 $0x800;
	s25 =	simm.s32 $0x19500;
	[smem:$0x7F9] =	sst s24  }
0x2a: {  	s30 =	simm.s32 $0x1A500;
	s31 =	simm.s32 $0x1AD00;
	[smem:$0x7FA] =	sst s25  }
0x2b: {  	s13 =	simm.s32 $0xC00;
	s17 =	sadd.s32 s6, s8;
	[smem:$0x7FC] =	sst s30  }
0x2c: {  	s8 =	sadd.s32 s9, s8;
	s6 =	sadd.s32 s6, s7;
	[smem:$0x7FD] =	sst s31  }
0x2d: {  	v0 =	vimm.s32 $0xEDCBA987;
	s7 =	simm.s32 $0x8D00;
	s9 =	simm.s32 $0x9D00;
	[dreg:$0x8] =	wrdreg s17  }
0x2e: {  	v0 =	vunpack.c.l.s4.s8 v0;
	s10 =	simm.s32 $0xA500;
	s11 =	ssub.s32 s21, s23;
	[dreg:$0x9] =	wrdreg s8  }
0x2f: {  	v1 =	vimm.s32 $0x65432100;
	v2 =	vimm.s32 $0xDCBA9876;
	s21 =	simm.s32 $0x17500;
	s23 =	simm.s32 $0x18500;
	[dreg:$0xa] =	wrdreg s6  }
0x30: {  	v5 =	vimm.s32 $0xE40000;
	v1 =	vunpack.c.l.s4.s8 v1;
	v0 =	vunpack.c.0.s8.s32 v0;
	s18 =	simm.s32 $0xF900;
	s19 =	simm.s32 $0x10100;
	[dreg:$0x16] =	wrdreg s7  }
0x31: {  	v6 =	vimm.s32 $0x32100000;
	vm0 =	vmmov $0x3;
	v2 =	vunpack.c.l.s4.s8 v2;
	s20 =	simm.s32 $0x10900;
	s22 =	simm.s32 $0x11900;
	[dreg:$0x18] =	wrdreg s9  }
0x32: {  	v1 =	vunpack.c.0.s8.s32 v1;
	v3 =	vand.u32 $0xF, v0;
	v0 =	vimm.s32 $0x54321000;
	s24 =	simm.s32 $0x12900;
	s25 =	simm.s32 $0x13100;
	[dreg:$0x19] =	wrdreg s10  }
0x33: {  	vm2 =	vcmask $0x3F30;
	v2 =	vunpack.c.0.s8.s32 v2;
	v4 =	vunpack.c.l.s4.s8 v0;
	s8 =	simm.s32 $0x9500;
	s17 =	simm.s32 $0xD500;
	[smem:$0x7F6] =	sst s21  }
0x34: {  	vm1 =	vmmov $0xf;
	v1 =	vcombine.low v1, v3;
	v3 =	vunpack.c.l.s2.s4 v5;
	s7 =	sand.u32 $0x2, s26;
	s9 =	simm.s32 $0x12500;
	[smem:$0x7F8] =	sst s23  }
0x35: {  	v5 =	vand.u32 $0xF, v2;
	v2 =	vimm.s32 $0xBA987654;
	v4 =	vunpack.c.0.s8.s32 v4;
	s10 =	simm.s32 $0x12D00;
	s16 =	smax.u32 s11, $0x1;
	[dreg:$0x17] =	wrdreg s8  }
0x36: {  	vm3 =	vmmov $0xffff;
	v7 =	vunpack.c.l.s4.s8 v2;
	v8 =	vunpack.c.l.s4.s8 v3;
	s26 =	simm.s32 $0x19D00;
	s21 =	simm.s32 $0x11100;
	[dreg:$0x1f] =	wrdreg s17  }
0x37: {  	v2 =	vlaneseq.u32;
	s23 =	simm.s32 $0x12100;
	s11 =	simm.s32 $0x15900;
	[smem:$0x7EB] =	sst s9;
	v3 =	vcombine.low v4, v5;
	v4 =	vunpack.c.l.s4.s8 v6  }
0x38: {  	s1 =	sor.u32 s1, s7;
	s8 =	simm.s32 $0x11D00;
	[smem:$0x7EC] =	sst s10;
	v5 =	vunpack.c.0.s8.s32 v7;
	v6 =	vimm.s32 $0x7060504;
	v7 =	vunpack.c.0.s8.s32 v8  }
0x39: {  	s7 =	sadd.s32 $0x100, s2;
	s9 =	sadd.s32 $0x100, s3;
	[smem:$0x7F0] =	sst s16;
	v8 =	vor.u32 $0x8, v2;
	v6 =	vunpack.c.0.s8.s32 v6;
	v4 =	vunpack.c.0.s8.s32 v4  }
0x3a: {  	s10 =	sadd.s32 $0x200, s3;
	s17 =	simm.s32 $0x15500;
	[smem:$0x7FB] =	sst s26;
	v0 =	vmov s1;
	v5 =	vand.u32 $0xF, v5;
	v7 =	vand.u32 $0x3, v7  }
0x3b: {  	s16 =	simm.s32 $0x3080;
	s26 =	simm.s32 $0x16900;
	[smem:$0x7E9] =	sst s8;
	v4 =	vcombine.low v4, v5;
	v5 =	vsel vm2, v6, v7;
	v7 =	vshrl.u32 v2, $0x3  }
0x3c: {  	s8 =	sadd.s32 $0x200, s2;
	[smem:$0x7F2] =	sst s17;
	s17 =	simm.s32 $0x880;
	vm2 =	vmmov $0xff;
	v6 =	vand.u32 $0x7, v2;
	v7 =	vmul.u32 $0x8, v7  }
.LBB2_1:
0x3d: {  	s0 =	sld [smem:$0x7EA];
	_ =	sdelay $0x1  }
0x3e: {  	[smem:$0x7E0] =	sst s4;
	s14 =	simm.s32 $0x400;
	s1 =	simm.s32 $0x9  }
0x3f: {  	[tilespmem:s5], [sflag:$0x9] =	stream.strided.gather [hbm4b:s0+s12], $0x800, s14, s12, $0x38;
	[tilespmem:$0x1B100] =	vst v63  }
0x40: {  	_ =	swait.ge [sflag:s1], $0x800  }
0x41: {  	[sflag:s1] =	ssyncset.done $0x0  }
0x42: {  	[sflag:s1] =	ssyncadd.s32 $0xFFFFF800  }
0x43: {  	s6 =	rddreg [dreg:$0x1]  }
0x44: {  	[tilespmem:s15], [sflag:$0x9] =	stream.linear.gather [hbm4b:s6+s5], $0x80, $0x38;
	[tilespmem:$0x1B100] =	vst v63  }
0x45: {  	_ =	swait.ge [sflag:s1], $0x80  }
0x46: {  	[sflag:s1] =	ssyncset.done $0x0  }
0x47: {  	[sflag:s1] =	ssyncadd.s32 $0xFFFFFF80  }
0x48: {  	v9 =	vld [tilespmem:s5+$0x0];
	_ =	sdelay $0x4  }
0x49: {  	[tilespmem:$0x3080] =	vst v9  }
0x4a: {  	v10 =	vld.idx.msk [tilespmem:v1+s16+$0x0], $0xffff;
	_ =	sdelay $0x3  }
0x4b: {  	vm4 =	veq.s32 v2, $0x0  }
0x4c: {  	v10 =	vsel vm4, $0x0, v10  }
0x4d: {  	v9 =	vadd.s32 v9, v10  }
0x4e: {  	[tilespmem:$0x3080] =	vst v9  }
0x4f: {  	v10 =	vld.idx.msk [tilespmem:v3+s16+$0x0], $0xffff;
	_ =	sdelay $0x4  }
0x50: {  	v10 =	vsel vm0, $0x0, v10  }
0x51: {  	v9 =	vadd.s32 v9, v10  }
0x52: {  	[tilespmem:$0x3080] =	vst v9  }
0x53: {  	v10 =	vld.idx.msk [tilespmem:v4+s16+$0x0], $0xffff;
	_ =	sdelay $0x4  }
0x54: {  	v10 =	vsel vm1, $0x0, v10  }
0x55: {  	v9 =	vadd.s32 v9, v10  }
0x56: {  	[tilespmem:$0x3080] =	vst v9  }
0x57: {  	v10 =	vld.idx.msk [tilespmem:v5+s16+$0x0], $0xffff;
	_ =	sdelay $0x3  }
0x58: {  	v11 =	vimm.s32 $0x0  }
0x59: {  	s14 =	simm.s32 $0xF;
	v9 =	vadd.s32 v11, v9;
	v10 =	vsel vm2, $0x0, v10  }
0x5a: {  	v10 =	vadd.s32 v10, v9;
	v9 =	vmov s14  }
0x5b: {  	s30 =	simm.s32 $0x1F  }
0x5c: {  	s31 =	simm.s32 $0x2F;
	s4 =	simm.s32 $0x880;
	s0 =	simm.s32 $0x10;
	[tilespmem:s17+$0x0] =	vst v10  }
.LBB2_2:
0x5d: {  	p0 =	sne.s32 s31, $0x7FF  }
0x5e: {  	v10 =	vld [tilespmem:s0+$0x0];
	s4 =	sadd.s32 $0x10, s4;
	s6 =	smov.u32 s31;
	s31 =	sadd.s32 $0x10, s31  }
0x5f: {  	v11 =	vld.idx.msk [tilespmem:v9+s17+$0x0], $0xffff;
	_ =	sdelay $0x3  }
0x60: {  	[tilespmem:$0x3080] =	vst v10  }
0x61: {  	v9 =	vld.idx.msk [tilespmem:v1+s16+$0x0], $0xffff;
	_ =	sdelay $0x5  }
0x62: {  	v9 =	vsel vm4, $0x0, v9  }
0x63: {  	v9 =	vadd.s32 v10, v9  }
0x64: {  	[tilespmem:$0x3080] =	vst v9  }
0x65: {  	v10 =	vld.idx.msk [tilespmem:v3+s16+$0x0], $0xffff;
	_ =	sdelay $0x5  }
0x66: {  	v10 =	vsel vm0, $0x0, v10  }
0x67: {  	v9 =	vadd.s32 v9, v10  }
0x68: {  	[tilespmem:$0x3080] =	vst v9  }
0x69: {  	v10 =	vld.idx.msk [tilespmem:v4+s16+$0x0], $0xffff;
	_ =	sdelay $0x5  }
0x6a: {  	v10 =	vsel vm1, $0x0, v10  }
0x6b: {  	v10 =	vadd.s32 v9, v10  }
0x6c: {  	[tilespmem:$0x3080] =	vst v10  }
0x6d: {  	v12 =	vld.idx.msk [tilespmem:v5+s16+$0x0], $0xffff;
	_ =	sdelay $0x3  }
.Ltmp0:
0x6e: {  	v9 =	vmov s30;
	s30 =	smov.u32 s6;
	(pc) =	sbr.rel @p0 .LBB2_2-.Ltmp0, $4  }
0x6f: {  	_ = 	snop  }
0x70: {  	v10 =	vadd.s32 v11, v10;
	v12 =	vsel vm2, $0x0, v12  }
0x71: {  	v10 =	vadd.s32 v12, v10  }
0x72: {  	s0 =	sadd.s32 $0x10, s0;
	[tilespmem:s4+$0x0] =	vst v10  }
0x73: {  	v10 =	vld [tilespmem:s0+$0x0];
	_ =	sdelay $0x4  }
0x74: {  	v9 =	vld.idx.msk [tilespmem:v9+s17+$0x0], $0xffff;
	[tilespmem:$0x3080] =	vst v10  }
0x75: {  	v11 =	vld.idx.msk [tilespmem:v1+s16+$0x0], $0xffff;
	_ =	sdelay $0x3  }
0x76: {  	vm4 =	veq.s32 v2, $0x0  }
0x77: {  	v11 =	vsel vm4, $0x0, v11  }
0x78: {  	v10 =	vadd.s32 v10, v11  }
0x79: {  	[tilespmem:$0x3080] =	vst v10  }
0x7a: {  	v11 =	vld.idx.msk [tilespmem:v3+s16+$0x0], $0xffff;
	_ =	sdelay $0x4  }
0x7b: {  	v11 =	vsel vm0, $0x0, v11  }
0x7c: {  	v10 =	vadd.s32 v10, v11  }
0x7d: {  	[tilespmem:$0x3080] =	vst v10  }
0x7e: {  	v11 =	vld.idx.msk [tilespmem:v4+s16+$0x0], $0xffff;
	_ =	sdelay $0x4  }
0x7f: {  	v11 =	vsel vm1, $0x0, v11  }
0x80: {  	v10 =	vadd.s32 v10, v11  }
0x81: {  	[tilespmem:$0x3080] =	vst v10  }
0x82: {  	v11 =	vld.idx.msk [tilespmem:v5+s16+$0x0], $0xffff;
	_ =	sdelay $0x4  }
0x83: {  	v9 =	vadd.s32 v9, v10;
	v11 =	vsel vm2, $0x0, v11  }
0x84: {  	s14 =	sadd.s32 $0x10, s4;
	v9 =	vadd.s32 v11, v9  }
0x85: {  	[tilespmem:s14+$0x0] =	vst v9  }
0x86: {  	v9 =	vld.idx.msk [tilespmem:v0+s15+$0x0], $0xffff;
	_ =	sdelay $0x7  }
0x87: {  	s31 =	simm.s32 $0x0;
	v9 =	vld.idx.msk [tilespmem:v9+s17+$0x0], $0xffff  }
0x88: {  	v10 =	vld [tilespmem:s31+$0x880];
	_ =	sdelay $0x3  }
0x89: {  	v9 =	vsub.s32 $0x800, v9  }
0x8a: {  	v10 =	vadd.s32 v9, v10  }
0x8b: {  	vm4 =	vgt.s32 v10, $0x0  }
0x8c: {  	v10 =	vnsel vm4, $0x0, v10  }
0x8d: {  	s0 =	simm.s32 $0x1090;
	v10 =	vmin.u32 v10, $0xFFF  }
0x8e: {  	[tilespmem:s0+$0xFFFFFFF0] =	vst v10  }
0x8f: {  	v10 =	vld [tilespmem:s31+$0x890];
	_ =	sdelay $0x4  }
0x90: {  	v10 =	vadd.s32 v9, v10  }
0x91: {  	vm4 =	vgt.s32 v10, $0x0  }
0x92: {  	v10 =	vnsel vm4, $0x0, v10  }
0x93: {  	v10 =	vmin.u32 v10, $0xFFF  }
0x94: {  	s30 =	simm.s32 $0x20;
	s4 =	simm.s32 $0x100;
	[tilespmem:s0+$0x0] =	vst v10  }
.LBB2_4:
0x95: {  	p0 =	sne.s32 s4, $0x1F80;
	v10 =	vld [tilespmem:s30+$0x880];
	_ =	sdelay $0x4  }
0x96: {  	v10 =	vadd.s32 v9, v10  }
0x97: {  	vm4 =	vgt.s32 v10, $0x0  }
0x98: {  	v10 =	vnsel vm4, $0x0, v10  }
0x99: {  	s0 =	sadd.s32 $0x80, s0;
	v10 =	vmin.u32 v10, $0xFFF  }
0x9a: {  	[tilespmem:s0+$0xFFFFFFF0] =	vst v10  }
0x9b: {  	v10 =	vld [tilespmem:s30+$0x890];
	_ =	sdelay $0x4  }
.Ltmp1:
0x9c: {  	v10 =	vadd.s32 v9, v10;
	(pc) =	sbr.rel @p0 .LBB2_4-.Ltmp1, $4  }
0x9d: {  	vm4 =	vgt.s32 v10, $0x0  }
0x9e: {  	v10 =	vnsel vm4, $0x0, v10  }
0x9f: {  	v10 =	vmin.u32 v10, $0xFFF  }
0xa0: {  	s30 =	sshra.s32 s4, $0x2;
	s4 =	sadd.s32 $0x80, s4;
	[tilespmem:s0+$0x0] =	vst v10  }
0xa1: {  	v10 =	vld [tilespmem:s30+$0x880];
	_ =	sdelay $0x4  }
0xa2: {  	v10 =	vadd.s32 v9, v10  }
0xa3: {  	vm4 =	vgt.s32 v10, $0x0  }
0xa4: {  	v10 =	vnsel vm4, $0x0, v10  }
0xa5: {  	s0 =	sadd.s32 $0x80, s0;
	v10 =	vmin.u32 v10, $0xFFF  }
0xa6: {  	[tilespmem:s0+$0xFFFFFFF0] =	vst v10  }
0xa7: {  	v10 =	vld [tilespmem:s30+$0x890];
	_ =	sdelay $0x4  }
0xa8: {  	v9 =	vadd.s32 v9, v10  }
0xa9: {  	vm4 =	vgt.s32 v9, $0x0  }
0xaa: {  	v9 =	vnsel vm4, $0x0, v9  }
0xab: {  	v9 =	vmin.u32 v9, $0xFFF  }
0xac: {  	[tilespmem:s0+$0x0] =	vst v9  }
0xad: {  	v9 =	vld [tilespmem:$0x1080];
	_ =	sdelay $0x4  }
0xae: {  	v10 =	vshrl.u32 v9, $0x3  }
0xaf: {  	v10 =	vmul.u32 $0x30, v10  }
0xb0: {  	v9 =	vand.u32 $0x7, v9  }
0xb1: {  	v9 =	vor.u32 v9, v10  }
0xb2: {  	v10 =	vperm.xlane v9, v6;
	_ =	sdelay $0x1  }
0xb3: {  	v10 =	vadd.s32 v7, v10;
	_ =	sdelay $0x3  }
0xb4: {  	s6 =	simm.s32 $0x3100;
	s30 =	simm.s32 $0x0;
	v9 =	vperm.xlane v9, v8  }
0xb5: {  	[tilespmem:s6], [sflag:$0x1] =	stream.indirect_vreg.gather [hbm4b:s2+s30], $0x80, v10, vm3, $0xb8;
	[tilespmem:$0x1B100] =	vst v63  }
0xb6: {  	s4 =	simm.s32 $0x3900;
	v9 =	vadd.s32 v7, v9  }
0xb7: {  	[tilespmem:s4], [sflag:$0x1] =	stream.indirect_vreg.gather [hbm4b:s7+s30], $0x80, v10, vm3, $0xb8;
	[tilespmem:$0x1B100] =	vst v63  }
0xb8: {  	s14 =	simm.s32 $0x4100  }
0xb9: {  	[tilespmem:s14], [sflag:$0x1] =	stream.indirect_vreg.gather [hbm4b:s8+s30], $0x80, v10, vm3, $0xb8;
	[tilespmem:$0x1B100] =	vst v63  }
0xba: {  	s15 =	simm.s32 $0x4900  }
0xbb: {  	[tilespmem:s15], [sflag:$0x1] =	stream.indirect_vreg.gather [hbm4b:s2+s30], $0x80, v9, vm3, $0xb8;
	[tilespmem:$0x1B100] =	vst v63  }
0xbc: {  	s1 =	simm.s32 $0x5100  }
0xbd: {  	[tilespmem:s1], [sflag:$0x1] =	stream.indirect_vreg.gather [hbm4b:s7+s30], $0x80, v9, vm3, $0xb8;
	[tilespmem:$0x1B100] =	vst v63  }
0xbe: {  	s4 =	simm.s32 $0x5900  }
0xbf: {  	[tilespmem:s4], [sflag:$0x1] =	stream.indirect_vreg.gather [hbm4b:s8+s30], $0x80, v9, vm3, $0xb8;
	[tilespmem:$0x1B100] =	vst v63  }
0xc0: {  	v9 =	vld [tilespmem:$0x1090];
	_ =	sdelay $0x4  }
0xc1: {  	v10 =	vshrl.u32 v9, $0x3  }
0xc2: {  	v10 =	vmul.u32 $0x30, v10  }
0xc3: {  	v9 =	vand.u32 $0x7, v9  }
0xc4: {  	v9 =	vor.u32 v9, v10  }
0xc5: {  	v10 =	vperm.xlane v9, v6;
	_ =	sdelay $0x1  }
0xc6: {  	v10 =	vadd.s32 v7, v10;
	_ =	sdelay $0x3  }
0xc7: {  	s14 =	simm.s32 $0x6100;
	v9 =	vperm.xlane v9, v8  }
0xc8: {  	[tilespmem:s14], [sflag:$0x1] =	stream.indirect_vreg.gather [hbm4b:s2+s30], $0x80, v10, vm3, $0xb8;
	[tilespmem:$0x1B100] =	vst v63  }
0xc9: {  	s15 =	simm.s32 $0x6900;
	v9 =	vadd.s32 v7, v9  }
0xca: {  	[tilespmem:s15], [sflag:$0x1] =	stream.indirect_vreg.gather [hbm4b:s7+s30], $0x80, v10, vm3, $0xb8;
	[tilespmem:$0x1B100] =	vst v63  }
0xcb: {  	s1 =	simm.s32 $0x7100  }
0xcc: {  	[tilespmem:s1], [sflag:$0x1] =	stream.indirect_vreg.gather [hbm4b:s8+s30], $0x80, v10, vm3, $0xb8;
	[tilespmem:$0x1B100] =	vst v63  }
0xcd: {  	s4 =	simm.s32 $0x7900  }
0xce: {  	[tilespmem:s4], [sflag:$0x1] =	stream.indirect_vreg.gather [hbm4b:s2+s30], $0x80, v9, vm3, $0xb8;
	[tilespmem:$0x1B100] =	vst v63  }
0xcf: {  	s14 =	simm.s32 $0x8100  }
0xd0: {  	[tilespmem:s14], [sflag:$0x1] =	stream.indirect_vreg.gather [hbm4b:s7+s30], $0x80, v9, vm3, $0xb8;
	[tilespmem:$0x1B100] =	vst v63  }
0xd1: {  	s15 =	simm.s32 $0x8900  }
0xd2: {  	[tilespmem:s15], [sflag:$0x1] =	stream.indirect_vreg.gather [hbm4b:s8+s30], $0x80, v9, vm3, $0xb8;
	[tilespmem:$0x1B100] =	vst v63  }
0xd3: {  	v9 =	vld [tilespmem:$0x1080];
	_ =	sdelay $0x4  }
0xd4: {  	v10 =	vshrl.u32 v9, $0x3  }
0xd5: {  	v10 =	vmul.u32 $0x30, v10  }
0xd6: {  	v9 =	vand.u32 $0x7, v9  }
0xd7: {  	v9 =	vor.u32 v9, v10  }
0xd8: {  	v10 =	vperm.xlane v9, v6;
	_ =	sdelay $0x1  }
0xd9: {  	v10 =	vadd.s32 v7, v10;
	_ =	sdelay $0x3  }
0xda: {  	s1 =	simm.s32 $0x9100;
	v9 =	vperm.xlane v9, v8  }
0xdb: {  	[tilespmem:s1], [sflag:$0x2] =	stream.indirect_vreg.gather [hbm4b:s3+s30], $0x80, v10, vm3, $0xb8;
	[tilespmem:$0x1B100] =	vst v63  }
0xdc: {  	s4 =	simm.s32 $0x9900;
	v9 =	vadd.s32 v7, v9  }
0xdd: {  	[tilespmem:s4], [sflag:$0x2] =	stream.indirect_vreg.gather [hbm4b:s9+s30], $0x80, v10, vm3, $0xb8;
	[tilespmem:$0x1B100] =	vst v63  }
0xde: {  	s14 =	simm.s32 $0xA100  }
0xdf: {  	[tilespmem:s14], [sflag:$0x2] =	stream.indirect_vreg.gather [hbm4b:s10+s30], $0x80, v10, vm3, $0xb8;
	[tilespmem:$0x1B100] =	vst v63  }
0xe0: {  	s15 =	simm.s32 $0xA900  }
0xe1: {  	[tilespmem:s15], [sflag:$0x2] =	stream.indirect_vreg.gather [hbm4b:s3+s30], $0x80, v9, vm3, $0xb8;
	[tilespmem:$0x1B100] =	vst v63  }
0xe2: {  	s1 =	simm.s32 $0xB100  }
0xe3: {  	[tilespmem:s1], [sflag:$0x2] =	stream.indirect_vreg.gather [hbm4b:s9+s30], $0x80, v9, vm3, $0xb8;
	[tilespmem:$0x1B100] =	vst v63  }
0xe4: {  	s4 =	simm.s32 $0xB900  }
0xe5: {  	[tilespmem:s4], [sflag:$0x2] =	stream.indirect_vreg.gather [hbm4b:s10+s30], $0x80, v9, vm3, $0xb8;
	[tilespmem:$0x1B100] =	vst v63  }
0xe6: {  	v9 =	vld [tilespmem:$0x1090];
	_ =	sdelay $0x4  }
0xe7: {  	v10 =	vshrl.u32 v9, $0x3  }
0xe8: {  	v10 =	vmul.u32 $0x30, v10  }
0xe9: {  	v9 =	vand.u32 $0x7, v9  }
0xea: {  	v9 =	vor.u32 v9, v10  }
0xeb: {  	v10 =	vperm.xlane v9, v6;
	_ =	sdelay $0x1  }
0xec: {  	v10 =	vadd.s32 v7, v10;
	_ =	sdelay $0x3  }
0xed: {  	s14 =	simm.s32 $0xC100;
	v9 =	vperm.xlane v9, v8  }
0xee: {  	[tilespmem:s14], [sflag:$0x2] =	stream.indirect_vreg.gather [hbm4b:s3+s30], $0x80, v10, vm3, $0xb8;
	[tilespmem:$0x1B100] =	vst v63  }
0xef: {  	s15 =	simm.s32 $0xC900;
	v9 =	vadd.s32 v7, v9  }
0xf0: {  	[tilespmem:s15], [sflag:$0x2] =	stream.indirect_vreg.gather [hbm4b:s9+s30], $0x80, v10, vm3, $0xb8;
	[tilespmem:$0x1B100] =	vst v63  }
0xf1: {  	s1 =	simm.s32 $0xD100  }
0xf2: {  	[tilespmem:s1], [sflag:$0x2] =	stream.indirect_vreg.gather [hbm4b:s10+s30], $0x80, v10, vm3, $0xb8;
	[tilespmem:$0x1B100] =	vst v63  }
0xf3: {  	s4 =	simm.s32 $0xD900  }
0xf4: {  	[tilespmem:s4], [sflag:$0x2] =	stream.indirect_vreg.gather [hbm4b:s3+s30], $0x80, v9, vm3, $0xb8;
	[tilespmem:$0x1B100] =	vst v63  }
0xf5: {  	s14 =	simm.s32 $0xE100  }
0xf6: {  	[tilespmem:s14], [sflag:$0x2] =	stream.indirect_vreg.gather [hbm4b:s9+s30], $0x80, v9, vm3, $0xb8;
	[tilespmem:$0x1B100] =	vst v63  }
0xf7: {  	s31 =	simm.s32 $0x1110;
	s15 =	simm.s32 $0xE900  }
0xf8: {  	[tilespmem:s15], [sflag:$0x2] =	stream.indirect_vreg.gather [hbm4b:s10+s30], $0x80, v9, vm3, $0xb8;
	[tilespmem:$0x1B100] =	vst v63  }
.LBB2_6:
0xf9: {  	p0 =	seq.s32 s30, $0x0  }
0xfa: {  	s0 =	simm.s32 @!p0 $0x7  }
0xfb: {  	_ =	swait.ge @!p0 [sflag:s0], $0x6000  }
0xfc: {  	[sflag:s0] =	ssyncset.done @!p0 $0x0  }
0xfd: {  	[sflag:s0] =	ssyncadd.s32 @!p0 $0xFFFFA000  }
0xfe: {  	v9 =	vld [tilespmem:s31+$0xFFFFFFF0];
	_ =	sdelay $0x4  }
0xff: {  	v10 =	vshrl.u32 v9, $0x3  }
0x100: {  	v10 =	vmul.u32 $0x30, v10  }
0x101: {  	v9 =	vand.u32 $0x7, v9  }
0x102: {  	v9 =	vor.u32 v9, v10  }
0x103: {  	v10 =	vperm.xlane v9, v6;
	_ =	sdelay $0x1  }
0x104: {  	v10 =	vadd.s32 v7, v10;
	_ =	sdelay $0x3  }
0x105: {  	s14 =	simm.s32 $0xF100;
	v9 =	vperm.xlane v9, v8  }
0x106: {  	[tilespmem:s14], [sflag:$0x3] =	stream.indirect_vreg.gather [hbm4b:s2+s5], $0x80, v10, vm3, $0xb8;
	[tilespmem:$0x1B100] =	vst v63  }
0x107: {  	v9 =	vadd.s32 v7, v9  }
0x108: {  	[tilespmem:s18], [sflag:$0x3] =	stream.indirect_vreg.gather [hbm4b:s7+s5], $0x80, v10, vm3, $0xb8;
	[tilespmem:$0x1B100] =	vst v63  }
0x109: {  	_ = 	snop  }
0x10a: {  	[tilespmem:s19], [sflag:$0x3] =	stream.indirect_vreg.gather [hbm4b:s8+s5], $0x80, v10, vm3, $0xb8;
	[tilespmem:$0x1B100] =	vst v63  }
0x10b: {  	_ = 	snop  }
0x10c: {  	[tilespmem:s20], [sflag:$0x3] =	stream.indirect_vreg.gather [hbm4b:s2+s5], $0x80, v9, vm3, $0xb8;
	[tilespmem:$0x1B100] =	vst v63  }
0x10d: {  	_ = 	snop  }
0x10e: {  	[tilespmem:s21], [sflag:$0x3] =	stream.indirect_vreg.gather [hbm4b:s7+s5], $0x80, v9, vm3, $0xb8;
	[tilespmem:$0x1B100] =	vst v63  }
0x10f: {  	_ = 	snop  }
0x110: {  	[tilespmem:s22], [sflag:$0x3] =	stream.indirect_vreg.gather [hbm4b:s8+s5], $0x80, v9, vm3, $0xb8;
	[tilespmem:$0x1B100] =	vst v63  }
0x111: {  	v9 =	vld [tilespmem:s31+$0x0];
	_ =	sdelay $0x4  }
0x112: {  	v10 =	vshrl.u32 v9, $0x3  }
0x113: {  	v10 =	vmul.u32 $0x30, v10  }
0x114: {  	v9 =	vand.u32 $0x7, v9  }
0x115: {  	v9 =	vor.u32 v9, v10  }
0x116: {  	v10 =	vperm.xlane v9, v6;
	_ =	sdelay $0x1  }
0x117: {  	v10 =	vadd.s32 v7, v10;
	_ =	sdelay $0x3  }
0x118: {  	v9 =	vperm.xlane v9, v8  }
0x119: {  	[tilespmem:s23], [sflag:$0x3] =	stream.indirect_vreg.gather [hbm4b:s2+s5], $0x80, v10, vm3, $0xb8;
	[tilespmem:$0x1B100] =	vst v63  }
0x11a: {  	v9 =	vadd.s32 v7, v9  }
0x11b: {  	[tilespmem:s24], [sflag:$0x3] =	stream.indirect_vreg.gather [hbm4b:s7+s5], $0x80, v10, vm3, $0xb8;
	[tilespmem:$0x1B100] =	vst v63  }
0x11c: {  	_ = 	snop  }
0x11d: {  	[tilespmem:s25], [sflag:$0x3] =	stream.indirect_vreg.gather [hbm4b:s8+s5], $0x80, v10, vm3, $0xb8;
	[tilespmem:$0x1B100] =	vst v63  }
0x11e: {  	_ = 	snop  }
0x11f: {  	[tilespmem:s28], [sflag:$0x3] =	stream.indirect_vreg.gather [hbm4b:s2+s5], $0x80, v9, vm3, $0xb8;
	[tilespmem:$0x1B100] =	vst v63  }
0x120: {  	s1 =	simm.s32 $0x14100  }
0x121: {  	[tilespmem:s1], [sflag:$0x3] =	stream.indirect_vreg.gather [hbm4b:s7+s5], $0x80, v9, vm3, $0xb8;
	[tilespmem:$0x1B100] =	vst v63  }
0x122: {  	s4 =	simm.s32 $0x14900  }
0x123: {  	[tilespmem:s4], [sflag:$0x3] =	stream.indirect_vreg.gather [hbm4b:s8+s5], $0x80, v9, vm3, $0xb8;
	[tilespmem:$0x1B100] =	vst v63  }
0x124: {  	s4 =	simm.s32 $0x1  }
0x125: {  	_ =	swait.ge [sflag:s4], $0x6000  }
0x126: {  	s15 =	rddreg [dreg:$0x7];
	[sflag:s4] =	ssyncset.done $0x0  }
0x127: {  	[sflag:s4] =	ssyncadd.s32 $0xFFFFA000;
	s0 =	sadd.s32 s30, s15  }
0x128: {  	[hbm4b:s0+s12] =	stream.strided.scatter [tilespmem:s6], [sflag:$0x5], $0x400, s13, s12, $0x38;
	[tilespmem:$0x1B100] =	vst v63  }
0x129: {  	s1 =	rddreg [dreg:$0xb];
	s15 =	sadd.s32 $0x40, s0  }
0x12a: {  	[hbm4b:s15+s12] =	stream.strided.scatter [tilespmem:s1], [sflag:$0x5], $0x400, s13, s12, $0x38;
	[tilespmem:$0x1B100] =	vst v63  }
0x12b: {  	s1 =	sadd.s32 $0x80, s0;
	s15 =	simm.s32 $0x3900  }
0x12c: {  	[hbm4b:s1+s12] =	stream.strided.scatter [tilespmem:s15], [sflag:$0x5], $0x400, s13, s12, $0x38;
	[tilespmem:$0x1B100] =	vst v63  }
0x12d: {  	s6 =	rddreg [dreg:$0xc];
	s1 =	sadd.s32 $0xC0, s0  }
0x12e: {  	[hbm4b:s1+s12] =	stream.strided.scatter [tilespmem:s6], [sflag:$0x5], $0x400, s13, s12, $0x38;
	[tilespmem:$0x1B100] =	vst v63  }
0x12f: {  	s15 =	sadd.s32 $0x100, s0;
	s1 =	simm.s32 $0x4100  }
0x130: {  	[hbm4b:s15+s12] =	stream.strided.scatter [tilespmem:s1], [sflag:$0x5], $0x400, s13, s12, $0x38;
	[tilespmem:$0x1B100] =	vst v63  }
0x131: {  	s6 =	rddreg [dreg:$0xd];
	s1 =	sadd.s32 $0x140, s0  }
0x132: {  	[hbm4b:s1+s12] =	stream.strided.scatter [tilespmem:s6], [sflag:$0x5], $0x400, s13, s12, $0x38;
	[tilespmem:$0x1B100] =	vst v63  }
0x133: {  	s15 =	sadd.s32 $0xC00, s0;
	s1 =	simm.s32 $0x4900  }
0x134: {  	[hbm4b:s15+s12] =	stream.strided.scatter [tilespmem:s1], [sflag:$0x5], $0x400, s13, s12, $0x38;
	[tilespmem:$0x1B100] =	vst v63  }
0x135: {  	s6 =	rddreg [dreg:$0xe];
	s1 =	sadd.s32 $0xC40, s0  }
0x136: {  	[hbm4b:s1+s12] =	stream.strided.scatter [tilespmem:s6], [sflag:$0x5], $0x400, s13, s12, $0x38;
	[tilespmem:$0x1B100] =	vst v63  }
0x137: {  	s15 =	sadd.s32 $0xC80, s0;
	s1 =	simm.s32 $0x5100  }
0x138: {  	[hbm4b:s15+s12] =	stream.strided.scatter [tilespmem:s1], [sflag:$0x5], $0x400, s13, s12, $0x38;
	[tilespmem:$0x1B100] =	vst v63  }
0x139: {  	s6 =	rddreg [dreg:$0xf];
	s1 =	sadd.s32 $0xCC0, s0  }
0x13a: {  	[hbm4b:s1+s12] =	stream.strided.scatter [tilespmem:s6], [sflag:$0x5], $0x400, s13, s12, $0x38;
	[tilespmem:$0x1B100] =	vst v63  }
0x13b: {  	s15 =	sadd.s32 $0xD00, s0;
	s1 =	simm.s32 $0x5900  }
0x13c: {  	[hbm4b:s15+s12] =	stream.strided.scatter [tilespmem:s1], [sflag:$0x5], $0x400, s13, s12, $0x38;
	[tilespmem:$0x1B100] =	vst v63  }
0x13d: {  	s6 =	rddreg [dreg:$0x10];
	s1 =	sadd.s32 $0xD40, s0  }
0x13e: {  	[hbm4b:s1+s12] =	stream.strided.scatter [tilespmem:s6], [sflag:$0x5], $0x400, s13, s12, $0x38;
	[tilespmem:$0x1B100] =	vst v63  }
0x13f: {  	s15 =	sadd.s32 $0x1800, s0;
	s1 =	simm.s32 $0x6100  }
0x140: {  	[hbm4b:s15+s12] =	stream.strided.scatter [tilespmem:s1], [sflag:$0x5], $0x400, s13, s12, $0x38;
	[tilespmem:$0x1B100] =	vst v63  }
0x141: {  	s6 =	rddreg [dreg:$0x11];
	s1 =	sadd.s32 $0x1840, s0  }
0x142: {  	[hbm4b:s1+s12] =	stream.strided.scatter [tilespmem:s6], [sflag:$0x5], $0x400, s13, s12, $0x38;
	[tilespmem:$0x1B100] =	vst v63  }
0x143: {  	s15 =	sadd.s32 $0x1880, s0;
	s1 =	simm.s32 $0x6900  }
0x144: {  	[hbm4b:s15+s12] =	stream.strided.scatter [tilespmem:s1], [sflag:$0x5], $0x400, s13, s12, $0x38;
	[tilespmem:$0x1B100] =	vst v63  }
0x145: {  	s6 =	rddreg [dreg:$0x12];
	s1 =	sadd.s32 $0x18C0, s0  }
0x146: {  	[hbm4b:s1+s12] =	stream.strided.scatter [tilespmem:s6], [sflag:$0x5], $0x400, s13, s12, $0x38;
	[tilespmem:$0x1B100] =	vst v63  }
0x147: {  	s15 =	sadd.s32 $0x1900, s0;
	s1 =	simm.s32 $0x7100  }
0x148: {  	[hbm4b:s15+s12] =	stream.strided.scatter [tilespmem:s1], [sflag:$0x5], $0x400, s13, s12, $0x38;
	[tilespmem:$0x1B100] =	vst v63  }
0x149: {  	s6 =	rddreg [dreg:$0x13];
	s1 =	sadd.s32 $0x1940, s0  }
0x14a: {  	[hbm4b:s1+s12] =	stream.strided.scatter [tilespmem:s6], [sflag:$0x5], $0x400, s13, s12, $0x38;
	[tilespmem:$0x1B100] =	vst v63  }
0x14b: {  	s15 =	sadd.s32 $0x2400, s0;
	s1 =	simm.s32 $0x7900  }
0x14c: {  	[hbm4b:s15+s12] =	stream.strided.scatter [tilespmem:s1], [sflag:$0x5], $0x400, s13, s12, $0x38;
	[tilespmem:$0x1B100] =	vst v63  }
0x14d: {  	s6 =	rddreg [dreg:$0x14];
	s1 =	sadd.s32 $0x2440, s0  }
0x14e: {  	[hbm4b:s1+s12] =	stream.strided.scatter [tilespmem:s6], [sflag:$0x5], $0x400, s13, s12, $0x38;
	[tilespmem:$0x1B100] =	vst v63  }
0x14f: {  	s15 =	sadd.s32 $0x2480, s0;
	s1 =	simm.s32 $0x8100  }
0x150: {  	[hbm4b:s15+s12] =	stream.strided.scatter [tilespmem:s1], [sflag:$0x5], $0x400, s13, s12, $0x38;
	[tilespmem:$0x1B100] =	vst v63  }
0x151: {  	s6 =	rddreg [dreg:$0x15];
	s1 =	sadd.s32 $0x24C0, s0  }
0x152: {  	[hbm4b:s1+s12] =	stream.strided.scatter [tilespmem:s6], [sflag:$0x5], $0x400, s13, s12, $0x38;
	[tilespmem:$0x1B100] =	vst v63  }
0x153: {  	s15 =	sadd.s32 $0x2500, s0;
	s1 =	simm.s32 $0x8900  }
0x154: {  	[hbm4b:s15+s12] =	stream.strided.scatter [tilespmem:s1], [sflag:$0x5], $0x400, s13, s12, $0x38;
	[tilespmem:$0x1B100] =	vst v63  }
0x155: {  	s0 =	sadd.s32 $0x2540, s0;
	s6 =	rddreg [dreg:$0x16]  }
0x156: {  	[hbm4b:s0+s12] =	stream.strided.scatter [tilespmem:s6], [sflag:$0x5], $0x400, s13, s12, $0x38;
	[tilespmem:$0x1B100] =	vst v63  }
0x157: {  	s0 =	simm.s32 @!p0 $0x8  }
0x158: {  	_ =	swait.ge @!p0 [sflag:s0], $0x6000  }
0x159: {  	[sflag:s0] =	ssyncset.done @!p0 $0x0  }
0x15a: {  	[sflag:s0] =	ssyncadd.s32 @!p0 $0xFFFFA000  }
0x15b: {  	v9 =	vld [tilespmem:s31+$0xFFFFFFF0];
	_ =	sdelay $0x4  }
0x15c: {  	v10 =	vshrl.u32 v9, $0x3  }
0x15d: {  	v10 =	vmul.u32 $0x30, v10  }
0x15e: {  	v9 =	vand.u32 $0x7, v9  }
0x15f: {  	v9 =	vor.u32 v9, v10  }
0x160: {  	v10 =	vperm.xlane v9, v6;
	_ =	sdelay $0x1  }
0x161: {  	v10 =	vadd.s32 v7, v10;
	_ =	sdelay $0x3  }
0x162: {  	v9 =	vperm.xlane v9, v8  }
0x163: {  	[tilespmem:s29], [sflag:$0x4] =	stream.indirect_vreg.gather [hbm4b:s3+s5], $0x80, v10, vm3, $0xb8;
	[tilespmem:$0x1B100] =	vst v63  }
0x164: {  	v9 =	vadd.s32 v7, v9  }
0x165: {  	[tilespmem:s11], [sflag:$0x4] =	stream.indirect_vreg.gather [hbm4b:s9+s5], $0x80, v10, vm3, $0xb8;
	[tilespmem:$0x1B100] =	vst v63  }
0x166: {  	s1 =	simm.s32 $0x16100  }
0x167: {  	[tilespmem:s1], [sflag:$0x4] =	stream.indirect_vreg.gather [hbm4b:s10+s5], $0x80, v10, vm3, $0xb8;
	[tilespmem:$0x1B100] =	vst v63  }
0x168: {  	_ = 	snop  }
0x169: {  	[tilespmem:s26], [sflag:$0x4] =	stream.indirect_vreg.gather [hbm4b:s3+s5], $0x80, v9, vm3, $0xb8;
	[tilespmem:$0x1B100] =	vst v63  }
0x16a: {  	s6 =	simm.s32 $0x17100  }
0x16b: {  	[tilespmem:s6], [sflag:$0x4] =	stream.indirect_vreg.gather [hbm4b:s9+s5], $0x80, v9, vm3, $0xb8;
	[tilespmem:$0x1B100] =	vst v63  }
0x16c: {  	s15 =	simm.s32 $0x17900  }
0x16d: {  	[tilespmem:s15], [sflag:$0x4] =	stream.indirect_vreg.gather [hbm4b:s10+s5], $0x80, v9, vm3, $0xb8;
	[tilespmem:$0x1B100] =	vst v63  }
0x16e: {  	v9 =	vld [tilespmem:s31+$0x0];
	_ =	sdelay $0x4  }
0x16f: {  	v10 =	vshrl.u32 v9, $0x3  }
0x170: {  	v10 =	vmul.u32 $0x30, v10  }
0x171: {  	v9 =	vand.u32 $0x7, v9  }
0x172: {  	v9 =	vor.u32 v9, v10  }
0x173: {  	v10 =	vperm.xlane v9, v6;
	_ =	sdelay $0x1  }
0x174: {  	v10 =	vadd.s32 v7, v10;
	_ =	sdelay $0x3  }
0x175: {  	s4 =	simm.s32 $0x18100;
	v9 =	vperm.xlane v9, v8  }
0x176: {  	[tilespmem:s4], [sflag:$0x4] =	stream.indirect_vreg.gather [hbm4b:s3+s5], $0x80, v10, vm3, $0xb8;
	[tilespmem:$0x1B100] =	vst v63  }
0x177: {  	s6 =	simm.s32 $0x18900;
	v9 =	vadd.s32 v7, v9  }
0x178: {  	[tilespmem:s6], [sflag:$0x4] =	stream.indirect_vreg.gather [hbm4b:s9+s5], $0x80, v10, vm3, $0xb8;
	[tilespmem:$0x1B100] =	vst v63  }
0x179: {  	s15 =	simm.s32 $0x19100  }
0x17a: {  	[tilespmem:s15], [sflag:$0x4] =	stream.indirect_vreg.gather [hbm4b:s10+s5], $0x80, v10, vm3, $0xb8;
	[tilespmem:$0x1B100] =	vst v63  }
0x17b: {  	s4 =	simm.s32 $0x19900  }
0x17c: {  	[tilespmem:s4], [sflag:$0x4] =	stream.indirect_vreg.gather [hbm4b:s3+s5], $0x80, v9, vm3, $0xb8;
	[tilespmem:$0x1B100] =	vst v63  }
0x17d: {  	s6 =	simm.s32 $0x1A100  }
0x17e: {  	[tilespmem:s6], [sflag:$0x4] =	stream.indirect_vreg.gather [hbm4b:s9+s5], $0x80, v9, vm3, $0xb8;
	[tilespmem:$0x1B100] =	vst v63  }
0x17f: {  	s0 =	simm.s32 $0x2;
	s15 =	simm.s32 $0x1A900  }
0x180: {  	[tilespmem:s15], [sflag:$0x4] =	stream.indirect_vreg.gather [hbm4b:s10+s5], $0x80, v9, vm3, $0xb8;
	[tilespmem:$0x1B100] =	vst v63  }
0x181: {  	_ =	swait.ge [sflag:s0], $0x6000  }
0x182: {  	s6 =	rddreg [dreg:$0x9];
	[sflag:s0] =	ssyncset.done $0x0  }
0x183: {  	s15 =	simm.s32 $0x9100;
	[sflag:s0] =	ssyncadd.s32 $0xFFFFA000;
	s0 =	sadd.s32 s30, s6  }
0x184: {  	[hbm4b:s0+s12] =	stream.strided.scatter [tilespmem:s15], [sflag:$0x6], $0x400, s13, s12, $0x38;
	[tilespmem:$0x1B100] =	vst v63  }
0x185: {  	s4 =	rddreg [dreg:$0x17];
	s15 =	sadd.s32 $0x40, s0  }
0x186: {  	[hbm4b:s15+s12] =	stream.strided.scatter [tilespmem:s4], [sflag:$0x6], $0x400, s13, s12, $0x38;
	[tilespmem:$0x1B100] =	vst v63  }
0x187: {  	s4 =	sadd.s32 $0x80, s0;
	s15 =	simm.s32 $0x9900  }
0x188: {  	[hbm4b:s4+s12] =	stream.strided.scatter [tilespmem:s15], [sflag:$0x6], $0x400, s13, s12, $0x38;
	[tilespmem:$0x1B100] =	vst v63  }
0x189: {  	s6 =	rddreg [dreg:$0x18];
	s15 =	sadd.s32 $0xC0, s0  }
0x18a: {  	[hbm4b:s15+s12] =	stream.strided.scatter [tilespmem:s6], [sflag:$0x6], $0x400, s13, s12, $0x38;
	[tilespmem:$0x1B100] =	vst v63  }
0x18b: {  	s4 =	sadd.s32 $0x100, s0;
	s15 =	simm.s32 $0xA100  }
0x18c: {  	[hbm4b:s4+s12] =	stream.strided.scatter [tilespmem:s15], [sflag:$0x6], $0x400, s13, s12, $0x38;
	[tilespmem:$0x1B100] =	vst v63  }
0x18d: {  	s6 =	rddreg [dreg:$0x19];
	s15 =	sadd.s32 $0x140, s0  }
0x18e: {  	[hbm4b:s15+s12] =	stream.strided.scatter [tilespmem:s6], [sflag:$0x6], $0x400, s13, s12, $0x38;
	[tilespmem:$0x1B100] =	vst v63  }
0x18f: {  	s4 =	sadd.s32 $0xC00, s0;
	s15 =	simm.s32 $0xA900  }
0x190: {  	[hbm4b:s4+s12] =	stream.strided.scatter [tilespmem:s15], [sflag:$0x6], $0x400, s13, s12, $0x38;
	[tilespmem:$0x1B100] =	vst v63  }
0x191: {  	s6 =	rddreg [dreg:$0x1a];
	s15 =	sadd.s32 $0xC40, s0  }
0x192: {  	[hbm4b:s15+s12] =	stream.strided.scatter [tilespmem:s6], [sflag:$0x6], $0x400, s13, s12, $0x38;
	[tilespmem:$0x1B100] =	vst v63  }
0x193: {  	s4 =	sadd.s32 $0xC80, s0;
	s15 =	simm.s32 $0xB100  }
0x194: {  	[hbm4b:s4+s12] =	stream.strided.scatter [tilespmem:s15], [sflag:$0x6], $0x400, s13, s12, $0x38;
	[tilespmem:$0x1B100] =	vst v63  }
0x195: {  	s6 =	rddreg [dreg:$0x1b];
	s15 =	sadd.s32 $0xCC0, s0  }
0x196: {  	[hbm4b:s15+s12] =	stream.strided.scatter [tilespmem:s6], [sflag:$0x6], $0x400, s13, s12, $0x38;
	[tilespmem:$0x1B100] =	vst v63  }
0x197: {  	s4 =	sadd.s32 $0xD00, s0;
	s15 =	simm.s32 $0xB900  }
0x198: {  	[hbm4b:s4+s12] =	stream.strided.scatter [tilespmem:s15], [sflag:$0x6], $0x400, s13, s12, $0x38;
	[tilespmem:$0x1B100] =	vst v63  }
0x199: {  	s6 =	rddreg [dreg:$0x1c];
	s15 =	sadd.s32 $0xD40, s0  }
0x19a: {  	[hbm4b:s15+s12] =	stream.strided.scatter [tilespmem:s6], [sflag:$0x6], $0x400, s13, s12, $0x38;
	[tilespmem:$0x1B100] =	vst v63  }
0x19b: {  	s4 =	sadd.s32 $0x1800, s0;
	s15 =	simm.s32 $0xC100  }
0x19c: {  	[hbm4b:s4+s12] =	stream.strided.scatter [tilespmem:s15], [sflag:$0x6], $0x400, s13, s12, $0x38;
	[tilespmem:$0x1B100] =	vst v63  }
0x19d: {  	s6 =	rddreg [dreg:$0x1d];
	s15 =	sadd.s32 $0x1840, s0  }
0x19e: {  	[hbm4b:s15+s12] =	stream.strided.scatter [tilespmem:s6], [sflag:$0x6], $0x400, s13, s12, $0x38;
	[tilespmem:$0x1B100] =	vst v63  }
0x19f: {  	s4 =	sadd.s32 $0x1880, s0;
	s15 =	simm.s32 $0xC900  }
0x1a0: {  	[hbm4b:s4+s12] =	stream.strided.scatter [tilespmem:s15], [sflag:$0x6], $0x400, s13, s12, $0x38;
	[tilespmem:$0x1B100] =	vst v63  }
0x1a1: {  	s6 =	rddreg [dreg:$0x1e];
	s15 =	sadd.s32 $0x18C0, s0  }
0x1a2: {  	[hbm4b:s15+s12] =	stream.strided.scatter [tilespmem:s6], [sflag:$0x6], $0x400, s13, s12, $0x38;
	[tilespmem:$0x1B100] =	vst v63  }
0x1a3: {  	s4 =	sadd.s32 $0x1900, s0;
	s15 =	simm.s32 $0xD100  }
0x1a4: {  	[hbm4b:s4+s12] =	stream.strided.scatter [tilespmem:s15], [sflag:$0x6], $0x400, s13, s12, $0x38;
	[tilespmem:$0x1B100] =	vst v63  }
0x1a5: {  	s6 =	rddreg [dreg:$0x1f];
	s15 =	sadd.s32 $0x1940, s0  }
0x1a6: {  	[hbm4b:s15+s12] =	stream.strided.scatter [tilespmem:s6], [sflag:$0x6], $0x400, s13, s12, $0x38;
	[tilespmem:$0x1B100] =	vst v63  }
0x1a7: {  	s4 =	sadd.s32 $0x2400, s0;
	s6 =	sld [smem:$0x7E1];
	s15 =	simm.s32 $0xD900  }
0x1a8: {  	[hbm4b:s4+s12] =	stream.strided.scatter [tilespmem:s15], [sflag:$0x6], $0x400, s13, s12, $0x38;
	[tilespmem:$0x1B100] =	vst v63  }
0x1a9: {  	s15 =	sadd.s32 $0x2440, s0  }
0x1aa: {  	[hbm4b:s15+s12] =	stream.strided.scatter [tilespmem:s6], [sflag:$0x6], $0x400, s13, s12, $0x38;
	[tilespmem:$0x1B100] =	vst v63  }
0x1ab: {  	s4 =	sadd.s32 $0x2480, s0;
	s6 =	sld [smem:$0x7E2];
	s15 =	simm.s32 $0xE100  }
0x1ac: {  	[hbm4b:s4+s12] =	stream.strided.scatter [tilespmem:s15], [sflag:$0x6], $0x400, s13, s12, $0x38;
	[tilespmem:$0x1B100] =	vst v63  }
0x1ad: {  	s15 =	sadd.s32 $0x24C0, s0  }
0x1ae: {  	[hbm4b:s15+s12] =	stream.strided.scatter [tilespmem:s6], [sflag:$0x6], $0x400, s13, s12, $0x38;
	[tilespmem:$0x1B100] =	vst v63  }
0x1af: {  	s4 =	sadd.s32 $0x2500, s0;
	s6 =	sld [smem:$0x7E3];
	s15 =	simm.s32 $0xE900  }
0x1b0: {  	[hbm4b:s4+s12] =	stream.strided.scatter [tilespmem:s15], [sflag:$0x6], $0x400, s13, s12, $0x38;
	[tilespmem:$0x1B100] =	vst v63  }
0x1b1: {  	p0 =	seq.s32 s30, $0xBA000;
	s0 =	sadd.s32 $0x2540, s0  }
0x1b2: {  	[hbm4b:s0+s12] =	stream.strided.scatter [tilespmem:s6], [sflag:$0x6], $0x400, s13, s12, $0x38;
	[tilespmem:$0x1B100] =	vst v63  }
0x1b3: {  	s0 =	simm.s32 @!p0 $0x5  }
0x1b4: {  	_ =	swait.ge @!p0 [sflag:s0], $0x6000  }
0x1b5: {  	[sflag:s0] =	ssyncset.done @!p0 $0x0  }
0x1b6: {  	[sflag:s0] =	ssyncadd.s32 @!p0 $0xFFFFA000  }
0x1b7: {  	v9 =	vld @!p0 [tilespmem:s31+$0x70];
	_ =	sdelay $0x4  }
0x1b8: {  	v10 =	vshrl.u32 @!p0 v9, $0x3  }
0x1b9: {  	v10 =	vmul.u32 @!p0 $0x30, v10  }
0x1ba: {  	v11 =	vlaneseq.u32 @!p0;
	v9 =	vand.u32 @!p0 $0x7, v9  }
0x1bb: {  	v12 =	vor.u32 @!p0 v9, v10;
	v10 =	vand.u32 @!p0 $0x7, v11;
	v9 =	vshrl.u32 @!p0 v11, $0x3  }
0x1bc: {  	v13 =	vperm.xlane @!p0 v12, v10;
	v9 =	vmul.u32 @!p0 $0x8, v9;
	_ =	sdelay $0x1  }
0x1bd: {  	v13 =	vadd.s32 @!p0 v9, v13;
	_ =	sdelay $0x2  }
0x1be: {  	v11 =	vor.u32 @!p0 $0x8, v11  }
0x1bf: {  	vm4 =	vmmov @!p0 $0xffff;
	s4 =	simm.s32 @!p0 $0x0;
	s0 =	simm.s32 @!p0 $0x3100;
	v12 =	vperm.xlane @!p0 v12, v11  }
0x1c0: {  	[tilespmem:s0], [sflag:$0x1] =	stream.indirect_vreg.gather @!p0 [hbm4b:s2+s4], $0x80, v13, vm4, $0xb8;
	[tilespmem:$0x1B100] =	vst v63  }
0x1c1: {  	v12 =	vadd.s32 @!p0 v9, v12;
	s0 =	simm.s32 @!p0 $0x3900  }
0x1c2: {  	[tilespmem:s0], [sflag:$0x1] =	stream.indirect_vreg.gather @!p0 [hbm4b:s7+s4], $0x80, v13, vm4, $0xb8;
	[tilespmem:$0x1B100] =	vst v63  }
0x1c3: {  	s0 =	simm.s32 @!p0 $0x4100  }
0x1c4: {  	[tilespmem:s0], [sflag:$0x1] =	stream.indirect_vreg.gather @!p0 [hbm4b:s8+s4], $0x80, v13, vm4, $0xb8;
	[tilespmem:$0x1B100] =	vst v63  }
0x1c5: {  	s0 =	simm.s32 @!p0 $0x4900  }
0x1c6: {  	[tilespmem:s0], [sflag:$0x1] =	stream.indirect_vreg.gather @!p0 [hbm4b:s2+s4], $0x80, v12, vm4, $0xb8;
	[tilespmem:$0x1B100] =	vst v63  }
0x1c7: {  	s0 =	simm.s32 @!p0 $0x5100  }
0x1c8: {  	[tilespmem:s0], [sflag:$0x1] =	stream.indirect_vreg.gather @!p0 [hbm4b:s7+s4], $0x80, v12, vm4, $0xb8;
	[tilespmem:$0x1B100] =	vst v63  }
0x1c9: {  	s0 =	simm.s32 @!p0 $0x5900  }
0x1ca: {  	[tilespmem:s0], [sflag:$0x1] =	stream.indirect_vreg.gather @!p0 [hbm4b:s8+s4], $0x80, v12, vm4, $0xb8;
	[tilespmem:$0x1B100] =	vst v63  }
0x1cb: {  	v12 =	vld @!p0 [tilespmem:s31+$0x80];
	_ =	sdelay $0x4  }
0x1cc: {  	v13 =	vshrl.u32 @!p0 v12, $0x3  }
0x1cd: {  	v13 =	vmul.u32 @!p0 $0x30, v13  }
0x1ce: {  	v12 =	vand.u32 @!p0 $0x7, v12  }
0x1cf: {  	v12 =	vor.u32 @!p0 v12, v13  }
0x1d0: {  	v13 =	vperm.xlane @!p0 v12, v10;
	_ =	sdelay $0x1  }
0x1d1: {  	v13 =	vadd.s32 @!p0 v9, v13;
	_ =	sdelay $0x3  }
0x1d2: {  	s0 =	simm.s32 @!p0 $0x6100;
	v12 =	vperm.xlane @!p0 v12, v11  }
0x1d3: {  	[tilespmem:s0], [sflag:$0x1] =	stream.indirect_vreg.gather @!p0 [hbm4b:s2+s4], $0x80, v13, vm4, $0xb8;
	[tilespmem:$0x1B100] =	vst v63  }
0x1d4: {  	v12 =	vadd.s32 @!p0 v9, v12;
	s0 =	simm.s32 @!p0 $0x6900  }
0x1d5: {  	[tilespmem:s0], [sflag:$0x1] =	stream.indirect_vreg.gather @!p0 [hbm4b:s7+s4], $0x80, v13, vm4, $0xb8;
	[tilespmem:$0x1B100] =	vst v63  }
0x1d6: {  	s0 =	simm.s32 @!p0 $0x7100  }
0x1d7: {  	[tilespmem:s0], [sflag:$0x1] =	stream.indirect_vreg.gather @!p0 [hbm4b:s8+s4], $0x80, v13, vm4, $0xb8;
	[tilespmem:$0x1B100] =	vst v63  }
0x1d8: {  	s0 =	simm.s32 @!p0 $0x7900  }
0x1d9: {  	[tilespmem:s0], [sflag:$0x1] =	stream.indirect_vreg.gather @!p0 [hbm4b:s2+s4], $0x80, v12, vm4, $0xb8;
	[tilespmem:$0x1B100] =	vst v63  }
0x1da: {  	s0 =	simm.s32 @!p0 $0x8100  }
0x1db: {  	[tilespmem:s0], [sflag:$0x1] =	stream.indirect_vreg.gather @!p0 [hbm4b:s7+s4], $0x80, v12, vm4, $0xb8;
	[tilespmem:$0x1B100] =	vst v63  }
0x1dc: {  	s0 =	simm.s32 @!p0 $0x8900  }
0x1dd: {  	[tilespmem:s0], [sflag:$0x1] =	stream.indirect_vreg.gather @!p0 [hbm4b:s8+s4], $0x80, v12, vm4, $0xb8;
	[tilespmem:$0x1B100] =	vst v63  }
0x1de: {  	s0 =	simm.s32 $0x3  }
0x1df: {  	_ =	swait.ge [sflag:s0], $0x6000  }
0x1e0: {  	s15 =	rddreg [dreg:$0xa];
	[sflag:s0] =	ssyncset.done $0x0  }
0x1e1: {  	[sflag:s0] =	ssyncadd.s32 $0xFFFFA000;
	s0 =	sadd.s32 s30, s15;
	s15 =	sld [smem:$0x7E4]  }
0x1e2: {  	[hbm4b:s0+s12] =	stream.strided.scatter [tilespmem:s14], [sflag:$0x7], $0x400, s13, s12, $0x38;
	[tilespmem:$0x1B100] =	vst v63  }
0x1e3: {  	s14 =	sadd.s32 $0x40, s0  }
0x1e4: {  	[hbm4b:s14+s12] =	stream.strided.scatter [tilespmem:s15], [sflag:$0x7], $0x400, s13, s12, $0x38;
	[tilespmem:$0x1B100] =	vst v63  }
0x1e5: {  	s14 =	sadd.s32 $0x80, s0;
	s15 =	sld [smem:$0x7E5]  }
0x1e6: {  	[hbm4b:s14+s12] =	stream.strided.scatter [tilespmem:s18], [sflag:$0x7], $0x400, s13, s12, $0x38;
	[tilespmem:$0x1B100] =	vst v63  }
0x1e7: {  	s14 =	sadd.s32 $0xC0, s0  }
0x1e8: {  	[hbm4b:s14+s12] =	stream.strided.scatter [tilespmem:s15], [sflag:$0x7], $0x400, s13, s12, $0x38;
	[tilespmem:$0x1B100] =	vst v63  }
0x1e9: {  	s14 =	sadd.s32 $0x100, s0;
	s15 =	sld [smem:$0x7E6]  }
0x1ea: {  	[hbm4b:s14+s12] =	stream.strided.scatter [tilespmem:s19], [sflag:$0x7], $0x400, s13, s12, $0x38;
	[tilespmem:$0x1B100] =	vst v63  }
0x1eb: {  	s14 =	sadd.s32 $0x140, s0  }
0x1ec: {  	[hbm4b:s14+s12] =	stream.strided.scatter [tilespmem:s15], [sflag:$0x7], $0x400, s13, s12, $0x38;
	[tilespmem:$0x1B100] =	vst v63  }
0x1ed: {  	s14 =	sadd.s32 $0xC00, s0;
	s15 =	sld [smem:$0x7E7]  }
0x1ee: {  	[hbm4b:s14+s12] =	stream.strided.scatter [tilespmem:s20], [sflag:$0x7], $0x400, s13, s12, $0x38;
	[tilespmem:$0x1B100] =	vst v63  }
0x1ef: {  	s14 =	sadd.s32 $0xC40, s0  }
0x1f0: {  	[hbm4b:s14+s12] =	stream.strided.scatter [tilespmem:s15], [sflag:$0x7], $0x400, s13, s12, $0x38;
	[tilespmem:$0x1B100] =	vst v63  }
0x1f1: {  	s14 =	sadd.s32 $0xC80, s0;
	s15 =	sld [smem:$0x7E8]  }
0x1f2: {  	[hbm4b:s14+s12] =	stream.strided.scatter [tilespmem:s21], [sflag:$0x7], $0x400, s13, s12, $0x38;
	[tilespmem:$0x1B100] =	vst v63  }
0x1f3: {  	s14 =	sadd.s32 $0xCC0, s0  }
0x1f4: {  	[hbm4b:s14+s12] =	stream.strided.scatter [tilespmem:s15], [sflag:$0x7], $0x400, s13, s12, $0x38;
	[tilespmem:$0x1B100] =	vst v63  }
0x1f5: {  	s14 =	sadd.s32 $0xD00, s0;
	s15 =	sld [smem:$0x7E9]  }
0x1f6: {  	[hbm4b:s14+s12] =	stream.strided.scatter [tilespmem:s22], [sflag:$0x7], $0x400, s13, s12, $0x38;
	[tilespmem:$0x1B100] =	vst v63  }
0x1f7: {  	s14 =	sadd.s32 $0xD40, s0  }
0x1f8: {  	[hbm4b:s14+s12] =	stream.strided.scatter [tilespmem:s15], [sflag:$0x7], $0x400, s13, s12, $0x38;
	[tilespmem:$0x1B100] =	vst v63  }
0x1f9: {  	s14 =	sadd.s32 $0x1800, s0;
	s15 =	sld [smem:$0x7EB]  }
0x1fa: {  	[hbm4b:s14+s12] =	stream.strided.scatter [tilespmem:s23], [sflag:$0x7], $0x400, s13, s12, $0x38;
	[tilespmem:$0x1B100] =	vst v63  }
0x1fb: {  	s14 =	sadd.s32 $0x1840, s0  }
0x1fc: {  	[hbm4b:s14+s12] =	stream.strided.scatter [tilespmem:s15], [sflag:$0x7], $0x400, s13, s12, $0x38;
	[tilespmem:$0x1B100] =	vst v63  }
0x1fd: {  	s14 =	sadd.s32 $0x1880, s0;
	s15 =	sld [smem:$0x7EC]  }
0x1fe: {  	[hbm4b:s14+s12] =	stream.strided.scatter [tilespmem:s24], [sflag:$0x7], $0x400, s13, s12, $0x38;
	[tilespmem:$0x1B100] =	vst v63  }
0x1ff: {  	s14 =	sadd.s32 $0x18C0, s0  }
0x200: {  	[hbm4b:s14+s12] =	stream.strided.scatter [tilespmem:s15], [sflag:$0x7], $0x400, s13, s12, $0x38;
	[tilespmem:$0x1B100] =	vst v63  }
0x201: {  	s14 =	sadd.s32 $0x1900, s0;
	s15 =	sld [smem:$0x7ED]  }
0x202: {  	[hbm4b:s14+s12] =	stream.strided.scatter [tilespmem:s25], [sflag:$0x7], $0x400, s13, s12, $0x38;
	[tilespmem:$0x1B100] =	vst v63  }
0x203: {  	s14 =	sadd.s32 $0x1940, s0  }
0x204: {  	[hbm4b:s14+s12] =	stream.strided.scatter [tilespmem:s15], [sflag:$0x7], $0x400, s13, s12, $0x38;
	[tilespmem:$0x1B100] =	vst v63  }
0x205: {  	s14 =	sadd.s32 $0x2400, s0;
	s15 =	sld [smem:$0x7EE]  }
0x206: {  	[hbm4b:s14+s12] =	stream.strided.scatter [tilespmem:s28], [sflag:$0x7], $0x400, s13, s12, $0x38;
	[tilespmem:$0x1B100] =	vst v63  }
0x207: {  	s14 =	sadd.s32 $0x2440, s0  }
0x208: {  	[hbm4b:s14+s12] =	stream.strided.scatter [tilespmem:s15], [sflag:$0x7], $0x400, s13, s12, $0x38;
	[tilespmem:$0x1B100] =	vst v63  }
0x209: {  	s6 =	sadd.s32 $0x2480, s0;
	s15 =	sld [smem:$0x7EF];
	s14 =	simm.s32 $0x14100  }
0x20a: {  	[hbm4b:s6+s12] =	stream.strided.scatter [tilespmem:s14], [sflag:$0x7], $0x400, s13, s12, $0x38;
	[tilespmem:$0x1B100] =	vst v63  }
0x20b: {  	s14 =	sadd.s32 $0x24C0, s0  }
0x20c: {  	[hbm4b:s14+s12] =	stream.strided.scatter [tilespmem:s15], [sflag:$0x7], $0x400, s13, s12, $0x38;
	[tilespmem:$0x1B100] =	vst v63  }
0x20d: {  	s6 =	sadd.s32 $0x2500, s0;
	s15 =	sld [smem:$0x7F1];
	s14 =	simm.s32 $0x14900  }
0x20e: {  	[hbm4b:s6+s12] =	stream.strided.scatter [tilespmem:s14], [sflag:$0x7], $0x400, s13, s12, $0x38;
	[tilespmem:$0x1B100] =	vst v63  }
0x20f: {  	s0 =	sadd.s32 $0x2540, s0  }
0x210: {  	[hbm4b:s0+s12] =	stream.strided.scatter [tilespmem:s15], [sflag:$0x7], $0x400, s13, s12, $0x38;
	[tilespmem:$0x1B100] =	vst v63  }
0x211: {  	s0 =	simm.s32 @!p0 $0x6  }
0x212: {  	_ =	swait.ge @!p0 [sflag:s0], $0x6000  }
0x213: {  	[sflag:s0] =	ssyncset.done @!p0 $0x0  }
0x214: {  	[sflag:s0] =	ssyncadd.s32 @!p0 $0xFFFFA000  }
0x215: {  	v12 =	vld @!p0 [tilespmem:s31+$0x70];
	_ =	sdelay $0x4  }
0x216: {  	v13 =	vshrl.u32 @!p0 v12, $0x3  }
0x217: {  	v13 =	vmul.u32 @!p0 $0x30, v13  }
0x218: {  	v12 =	vand.u32 @!p0 $0x7, v12  }
0x219: {  	v12 =	vor.u32 @!p0 v12, v13  }
0x21a: {  	v13 =	vperm.xlane @!p0 v12, v10;
	_ =	sdelay $0x1  }
0x21b: {  	v13 =	vadd.s32 @!p0 v9, v13;
	_ =	sdelay $0x3  }
0x21c: {  	s0 =	simm.s32 @!p0 $0x9100;
	v12 =	vperm.xlane @!p0 v12, v11  }
0x21d: {  	[tilespmem:s0], [sflag:$0x2] =	stream.indirect_vreg.gather @!p0 [hbm4b:s3+s4], $0x80, v13, vm4, $0xb8;
	[tilespmem:$0x1B100] =	vst v63  }
0x21e: {  	v12 =	vadd.s32 @!p0 v9, v12;
	s0 =	simm.s32 @!p0 $0x9900  }
0x21f: {  	[tilespmem:s0], [sflag:$0x2] =	stream.indirect_vreg.gather @!p0 [hbm4b:s9+s4], $0x80, v13, vm4, $0xb8;
	[tilespmem:$0x1B100] =	vst v63  }
0x220: {  	s0 =	simm.s32 @!p0 $0xA100  }
0x221: {  	[tilespmem:s0], [sflag:$0x2] =	stream.indirect_vreg.gather @!p0 [hbm4b:s10+s4], $0x80, v13, vm4, $0xb8;
	[tilespmem:$0x1B100] =	vst v63  }
0x222: {  	s0 =	simm.s32 @!p0 $0xA900  }
0x223: {  	[tilespmem:s0], [sflag:$0x2] =	stream.indirect_vreg.gather @!p0 [hbm4b:s3+s4], $0x80, v12, vm4, $0xb8;
	[tilespmem:$0x1B100] =	vst v63  }
0x224: {  	s0 =	simm.s32 @!p0 $0xB100  }
0x225: {  	[tilespmem:s0], [sflag:$0x2] =	stream.indirect_vreg.gather @!p0 [hbm4b:s9+s4], $0x80, v12, vm4, $0xb8;
	[tilespmem:$0x1B100] =	vst v63  }
0x226: {  	s0 =	simm.s32 @!p0 $0xB900  }
0x227: {  	[tilespmem:s0], [sflag:$0x2] =	stream.indirect_vreg.gather @!p0 [hbm4b:s10+s4], $0x80, v12, vm4, $0xb8;
	[tilespmem:$0x1B100] =	vst v63  }
0x228: {  	v12 =	vld @!p0 [tilespmem:s31+$0x80];
	_ =	sdelay $0x4  }
0x229: {  	v13 =	vshrl.u32 @!p0 v12, $0x3  }
0x22a: {  	v13 =	vmul.u32 @!p0 $0x30, v13  }
0x22b: {  	v12 =	vand.u32 @!p0 $0x7, v12  }
0x22c: {  	v12 =	vor.u32 @!p0 v12, v13  }
0x22d: {  	v10 =	vperm.xlane @!p0 v12, v10;
	_ =	sdelay $0x1  }
0x22e: {  	v10 =	vadd.s32 @!p0 v9, v10;
	_ =	sdelay $0x3  }
0x22f: {  	s0 =	simm.s32 @!p0 $0xC100;
	v11 =	vperm.xlane @!p0 v12, v11  }
0x230: {  	[tilespmem:s0], [sflag:$0x2] =	stream.indirect_vreg.gather @!p0 [hbm4b:s3+s4], $0x80, v10, vm4, $0xb8;
	[tilespmem:$0x1B100] =	vst v63  }
0x231: {  	v9 =	vadd.s32 @!p0 v9, v11;
	s0 =	simm.s32 @!p0 $0xC900  }
0x232: {  	[tilespmem:s0], [sflag:$0x2] =	stream.indirect_vreg.gather @!p0 [hbm4b:s9+s4], $0x80, v10, vm4, $0xb8;
	[tilespmem:$0x1B100] =	vst v63  }
0x233: {  	s0 =	simm.s32 @!p0 $0xD100  }
0x234: {  	[tilespmem:s0], [sflag:$0x2] =	stream.indirect_vreg.gather @!p0 [hbm4b:s10+s4], $0x80, v10, vm4, $0xb8;
	[tilespmem:$0x1B100] =	vst v63  }
0x235: {  	s0 =	simm.s32 @!p0 $0xD900  }
0x236: {  	[tilespmem:s0], [sflag:$0x2] =	stream.indirect_vreg.gather @!p0 [hbm4b:s3+s4], $0x80, v9, vm4, $0xb8;
	[tilespmem:$0x1B100] =	vst v63  }
0x237: {  	s0 =	simm.s32 @!p0 $0xE100  }
0x238: {  	[tilespmem:s0], [sflag:$0x2] =	stream.indirect_vreg.gather @!p0 [hbm4b:s9+s4], $0x80, v9, vm4, $0xb8;
	[tilespmem:$0x1B100] =	vst v63  }
0x239: {  	s0 =	simm.s32 @!p0 $0xE900  }
0x23a: {  	[tilespmem:s0], [sflag:$0x2] =	stream.indirect_vreg.gather @!p0 [hbm4b:s10+s4], $0x80, v9, vm4, $0xb8;
	[tilespmem:$0x1B100] =	vst v63  }
0x23b: {  	s0 =	simm.s32 $0x4  }
0x23c: {  	_ =	swait.ge [sflag:s0], $0x6000  }
0x23d: {  	s6 =	rddreg [dreg:$0x8];
	[sflag:s0] =	ssyncset.done $0x0  }
0x23e: {  	s14 =	sld [smem:$0x7F2];
	[sflag:s0] =	ssyncadd.s32 $0xFFFFA000;
	s0 =	sadd.s32 s30, s6  }
0x23f: {  	[hbm4b:s0+s12] =	stream.strided.scatter [tilespmem:s29], [sflag:$0x8], $0x400, s13, s12, $0x38;
	[tilespmem:$0x1B100] =	vst v63  }
0x240: {  	s15 =	sadd.s32 $0x40, s0  }
0x241: {  	[hbm4b:s15+s12] =	stream.strided.scatter [tilespmem:s14], [sflag:$0x8], $0x400, s13, s12, $0x38;
	[tilespmem:$0x1B100] =	vst v63  }
0x242: {  	s6 =	sadd.s32 $0x80, s0;
	s14 =	sld [smem:$0x7F3]  }
0x243: {  	[hbm4b:s6+s12] =	stream.strided.scatter [tilespmem:s11], [sflag:$0x8], $0x400, s13, s12, $0x38;
	[tilespmem:$0x1B100] =	vst v63  }
0x244: {  	s15 =	sadd.s32 $0xC0, s0  }
0x245: {  	[hbm4b:s15+s12] =	stream.strided.scatter [tilespmem:s14], [sflag:$0x8], $0x400, s13, s12, $0x38;
	[tilespmem:$0x1B100] =	vst v63  }
0x246: {  	s14 =	sadd.s32 $0x100, s0;
	s15 =	sld [smem:$0x7F4]  }
0x247: {  	[hbm4b:s14+s12] =	stream.strided.scatter [tilespmem:s1], [sflag:$0x8], $0x400, s13, s12, $0x38;
	[tilespmem:$0x1B100] =	vst v63  }
0x248: {  	s1 =	sadd.s32 $0x140, s0  }
0x249: {  	[hbm4b:s1+s12] =	stream.strided.scatter [tilespmem:s15], [sflag:$0x8], $0x400, s13, s12, $0x38;
	[tilespmem:$0x1B100] =	vst v63  }
0x24a: {  	s14 =	sadd.s32 $0xC00, s0;
	s15 =	sld [smem:$0x7F5]  }
0x24b: {  	[hbm4b:s14+s12] =	stream.strided.scatter [tilespmem:s26], [sflag:$0x8], $0x400, s13, s12, $0x38;
	[tilespmem:$0x1B100] =	vst v63  }
0x24c: {  	s1 =	sadd.s32 $0xC40, s0  }
0x24d: {  	[hbm4b:s1+s12] =	stream.strided.scatter [tilespmem:s15], [sflag:$0x8], $0x400, s13, s12, $0x38;
	[tilespmem:$0x1B100] =	vst v63  }
0x24e: {  	s6 =	sadd.s32 $0xC80, s0;
	s14 =	sld [smem:$0x7F6];
	s15 =	simm.s32 $0x17100  }
0x24f: {  	[hbm4b:s6+s12] =	stream.strided.scatter [tilespmem:s15], [sflag:$0x8], $0x400, s13, s12, $0x38;
	[tilespmem:$0x1B100] =	vst v63  }
0x250: {  	s1 =	sadd.s32 $0xCC0, s0  }
0x251: {  	[hbm4b:s1+s12] =	stream.strided.scatter [tilespmem:s14], [sflag:$0x8], $0x400, s13, s12, $0x38;
	[tilespmem:$0x1B100] =	vst v63  }
0x252: {  	s6 =	sadd.s32 $0xD00, s0;
	s15 =	simm.s32 $0x17900;
	s14 =	sld [smem:$0x7F7]  }
0x253: {  	[hbm4b:s6+s12] =	stream.strided.scatter [tilespmem:s15], [sflag:$0x8], $0x400, s13, s12, $0x38;
	[tilespmem:$0x1B100] =	vst v63  }
0x254: {  	s1 =	sadd.s32 $0xD40, s0  }
0x255: {  	[hbm4b:s1+s12] =	stream.strided.scatter [tilespmem:s14], [sflag:$0x8], $0x400, s13, s12, $0x38;
	[tilespmem:$0x1B100] =	vst v63  }
0x256: {  	s6 =	sadd.s32 $0x1800, s0;
	s15 =	simm.s32 $0x18100;
	s14 =	sld [smem:$0x7F8]  }
0x257: {  	[hbm4b:s6+s12] =	stream.strided.scatter [tilespmem:s15], [sflag:$0x8], $0x400, s13, s12, $0x38;
	[tilespmem:$0x1B100] =	vst v63  }
0x258: {  	s1 =	sadd.s32 $0x1840, s0  }
0x259: {  	[hbm4b:s1+s12] =	stream.strided.scatter [tilespmem:s14], [sflag:$0x8], $0x400, s13, s12, $0x38;
	[tilespmem:$0x1B100] =	vst v63  }
0x25a: {  	s6 =	sadd.s32 $0x1880, s0;
	s15 =	simm.s32 $0x18900;
	s14 =	sld [smem:$0x7F9]  }
0x25b: {  	[hbm4b:s6+s12] =	stream.strided.scatter [tilespmem:s15], [sflag:$0x8], $0x400, s13, s12, $0x38;
	[tilespmem:$0x1B100] =	vst v63  }
0x25c: {  	s1 =	sadd.s32 $0x18C0, s0  }
0x25d: {  	[hbm4b:s1+s12] =	stream.strided.scatter [tilespmem:s14], [sflag:$0x8], $0x400, s13, s12, $0x38;
	[tilespmem:$0x1B100] =	vst v63  }
0x25e: {  	s6 =	sadd.s32 $0x1900, s0;
	s15 =	simm.s32 $0x19100;
	s14 =	sld [smem:$0x7FA]  }
0x25f: {  	[hbm4b:s6+s12] =	stream.strided.scatter [tilespmem:s15], [sflag:$0x8], $0x400, s13, s12, $0x38;
	[tilespmem:$0x1B100] =	vst v63  }
0x260: {  	s1 =	sadd.s32 $0x1940, s0  }
0x261: {  	[hbm4b:s1+s12] =	stream.strided.scatter [tilespmem:s14], [sflag:$0x8], $0x400, s13, s12, $0x38;
	[tilespmem:$0x1B100] =	vst v63  }
0x262: {  	s6 =	sadd.s32 $0x2400, s0;
	s15 =	simm.s32 $0x19900;
	s14 =	sld [smem:$0x7FB]  }
0x263: {  	[hbm4b:s6+s12] =	stream.strided.scatter [tilespmem:s15], [sflag:$0x8], $0x400, s13, s12, $0x38;
	[tilespmem:$0x1B100] =	vst v63  }
0x264: {  	s30 =	sadd.s32 $0x6000, s30;
	s1 =	sadd.s32 $0x2440, s0  }
0x265: {  	[hbm4b:s1+s12] =	stream.strided.scatter [tilespmem:s14], [sflag:$0x8], $0x400, s13, s12, $0x38;
	[tilespmem:$0x1B100] =	vst v63  }
0x266: {  	s6 =	sadd.s32 $0x2480, s0;
	s15 =	simm.s32 $0x1A100;
	s14 =	sld [smem:$0x7FC]  }
0x267: {  	[hbm4b:s6+s12] =	stream.strided.scatter [tilespmem:s15], [sflag:$0x8], $0x400, s13, s12, $0x38;
	[tilespmem:$0x1B100] =	vst v63  }
0x268: {  	p0 =	sne.s32 s30, $0xC0000;
	s1 =	sadd.s32 $0x24C0, s0  }
0x269: {  	[hbm4b:s1+s12] =	stream.strided.scatter [tilespmem:s14], [sflag:$0x8], $0x400, s13, s12, $0x38;
	[tilespmem:$0x1B100] =	vst v63  }
.Ltmp2:
0x26a: {  	_ = 	snop;
	(pc) =	sbr.rel @p0 .LBB2_6-.Ltmp2, $4  }
0x26b: {  	s6 =	sadd.s32 $0x2500, s0;
	s15 =	simm.s32 $0x1A900;
	s14 =	sld [smem:$0x7FD]  }
0x26c: {  	[hbm4b:s6+s12] =	stream.strided.scatter [tilespmem:s15], [sflag:$0x8], $0x400, s13, s12, $0x38;
	[tilespmem:$0x1B100] =	vst v63  }
0x26d: {  	s31 =	sadd.s32 $0x100, s31;
	s0 =	sadd.s32 $0x2540, s0;
	s6 =	simm.s32 $0x3100  }
0x26e: {  	[hbm4b:s0+s12] =	stream.strided.scatter [tilespmem:s14], [sflag:$0x8], $0x400, s13, s12, $0x38;
	[tilespmem:$0x1B100] =	vst v63  }
0x26f: {  	s0 =	simm.s32 $0x5  }
0x270: {  	_ =	swait.ge [sflag:s0], $0x6000  }
0x271: {  	[sflag:s0] =	ssyncset.done $0x0  }
0x272: {  	s15 =	simm.s32 $0x6;
	[sflag:s0] =	ssyncadd.s32 $0xFFFFA000  }
0x273: {  	_ =	swait.ge [sflag:s15], $0x6000  }
0x274: {  	[sflag:s15] =	ssyncset.done $0x0  }
0x275: {  	s30 =	simm.s32 $0x7;
	[sflag:s15] =	ssyncadd.s32 $0xFFFFA000  }
0x276: {  	_ =	swait.ge [sflag:s30], $0x6000  }
0x277: {  	[sflag:s30] =	ssyncset.done $0x0  }
0x278: {  	s1 =	simm.s32 $0x8;
	[sflag:s30] =	ssyncadd.s32 $0xFFFFA000  }
0x279: {  	_ =	swait.ge [sflag:s1], $0x6000  }
0x27a: {  	s4 =	sld [smem:$0x7E0]  }
0x27b: {  	s31 =	sld [smem:$0x7F0];
	_ =	sdelay $0x1  }
0x27c: {  	s4 =	sadd.s32 $0x1, s4  }
0x27d: {  	p0 =	sne.s32 s4, s31  }
.Ltmp3:
0x27e: {  	_ = 	snop;
	(pc) =	sbr.rel @p0 .LBB2_1-.Ltmp3, $3  }
0x27f: {  	_ =	sdelay $0x1  }
0x280: {  	[sflag:s1] =	ssyncset.done $0x0  }
0x281: {  	s15 =	simm.s32 $0x800;
	[sflag:s1] =	ssyncadd.s32 $0xFFFFA000  }
0x282: {  	_ =	sfence.sel $0x180000  }
0x283: {  	[bflag:$0x0] =	sbarrier.arrive $0xFFFF  }
0x284: {  	_ =	strace $0x90000047  }
0x285: {  	s0 =	stileid.u32;
	[bflag:$0x2] =	sbarrier.arrive $0xFFFF  }
0x286: {  	p0 =	sne.s32 s0, $0x0;
	s0 =	rddreg [dreg:$0x6]  }
0x287: {  	s0 =	sadd.s32 @!p0 $0x100000, s0  }
0x288: {  	[sflag:s0] =	ssyncadd.tile.s32 @!p0 $0x1;
	_ =	shalt  }
.Lfunc_end2:
_tile_overlayer_lowered:
.L_overlay_start_2:
0x289: {  	(tag) =	ssettag $0x2  }
0x28a: {  	s0 =	rddreg [dreg:$0x0];
	s2 =	stileid.u32  }
0x28b: {  	s1 =	rddreg [dreg:$0x1];
	p0 =	sne.s32 s2, $0x0  }
0x28c: {  	s3 =	rddreg [dreg:$0x2];
	[bflag:$0x3] =	sbarrier.arrive $0xFFFF;
	s2 =	simm.s32 @!p0 $0x1C09  }
0x28d: {  	[timem:s3], [sflag:s2] =	dma.local @!p0 [hbm:s0], s1  }
0x28e: {  	s0 =	simm.s32 @!p0 $0x9  }
0x28f: {  	_ =	swait.ge @!p0 [sflag:s0], s1  }
0x290: {  	s1 =	ssub.s32 @!p0 $0x0, s1;
	[sflag:s0] =	ssyncset.done @!p0 $0x0  }
0x291: {  	[sflag:s0] =	ssyncadd.s32 @!p0 s1  }
0x292: {  	[bflag:$0x3] =	sbarrier.arrive $0xFFFF  }
0x293: {  	_ =	shalt  }

</sc_bundles>
